<compile_context>
chip_gen: v7x
topology: tpu7x:2x2x1
jax: 0.10.2.dev20260603
libtpu: 0.0.44.dev20260713+nightly
codegen_flags: <defaults>
</compile_context>

<pallas_src>
import functools

import jax
import jax.numpy as jnp
from jax import lax
from jax.experimental import pallas as pl
from jax.experimental.pallas import tpu as pltpu
from jax.experimental.pallas import tpu_sc as plsc

_VOCAB = 1000000
_D = 64
_B = 1024
_L = 100000
_LNNZ = 20

_NC, _NS, _LANES = 2, 16, 16
_NW = _NC * _NS

_L_PAD = 100352
_LBL_PER_W = _L_PAD // _NW
_LBL_CHUNK = 32
_LBL_CHUNKS = _LBL_PER_W // _LBL_CHUNK
_LBL_G = _LBL_CHUNK * _LNNZ // 128
_LBL_G_PER_W = _LBL_PER_W * _LNNZ // 128

_DNNZ_PAD = 256
_DOC_PER_W = _B // _NW
_DOC_CHUNK = 2
_DOC_CHUNKS = _DOC_PER_W // _DOC_CHUNK
_DOC_G = _DOC_CHUNK * _DNNZ_PAD // 128
_DOC_G_PER_W = _DOC_PER_W * _DNNZ_PAD // 128


def _bag_body(tbl, lidx, lw, didx, dw, dout, lout, idx_v, rows_v, w_v, out_v, sem):
    wid = lax.axis_index("s") * _NC + lax.axis_index("c")

    def accumulate(nnz, base_k, accs):
        for n in range(nnz):
            k = base_k + n
            wv = plsc.load_gather(w_v, [jnp.full((_LANES,), k, jnp.int32)])
            accs = tuple(accs[c] + wv * rows_v[k, pl.ds(c * 16, 16)]
                         for c in range(4))
        return accs

    zeros4 = tuple(jnp.zeros((_LANES,), jnp.float32) for _ in range(4))

    def doc_chunk(ch, _):
        dbase = wid * _DOC_PER_W + ch * _DOC_CHUNK
        nidx = _DOC_CHUNK * _DNNZ_PAD
        pltpu.sync_copy(didx.at[pl.ds(dbase * _DNNZ_PAD, nidx)],
                        idx_v.at[pl.ds(0, nidx)])
        cps = [pltpu.async_copy(tbl.at[idx_v.at[pl.ds(j * 128, 128)]],
                                rows_v.at[pl.ds(j * 128, 128)], sem)
               for j in range(_DOC_G)]
        pltpu.sync_copy(dw.at[pl.ds(dbase * _DNNZ_PAD, _DOC_CHUNK * _DNNZ_PAD)],
                        w_v.at[pl.ds(0, _DOC_CHUNK * _DNNZ_PAD)])
        for cp in cps:
            cp.wait()

        def one_doc(i, _):
            def grp(g, accs):
                return accumulate(16, i * _DNNZ_PAD + g * 16, accs)
            accs = lax.fori_loop(0, _DNNZ_PAD // 16, grp, zeros4)
            for c in range(4):
                out_v[i, pl.ds(c * 16, 16)] = accs[c]
            return 0

        lax.fori_loop(0, _DOC_CHUNK, one_doc, 0)
        pltpu.sync_copy(out_v.at[pl.ds(0, _DOC_CHUNK)],
                        dout.at[pl.ds(dbase, _DOC_CHUNK)])
        return 0

    lax.fori_loop(0, _DOC_CHUNKS, doc_chunk, 0)

    def lbl_chunk(ch, _):
        lbase = wid * _LBL_PER_W + ch * _LBL_CHUNK
        nidx = _LBL_CHUNK * _LNNZ
        pltpu.sync_copy(lidx.at[pl.ds(lbase * _LNNZ, nidx)],
                        idx_v.at[pl.ds(0, nidx)])
        cps = [pltpu.async_copy(tbl.at[idx_v.at[pl.ds(j * 128, 128)]],
                                rows_v.at[pl.ds(j * 128, 128)], sem)
               for j in range(_LBL_G)]
        pltpu.sync_copy(lw.at[pl.ds(lbase * _LNNZ, _LBL_CHUNK * _LNNZ)],
                        w_v.at[pl.ds(0, _LBL_CHUNK * _LNNZ)])
        for cp in cps:
            cp.wait()

        def one_lbl(i, _):
            accs = accumulate(_LNNZ, i * _LNNZ, zeros4)
            for c in range(4):
                out_v[i, pl.ds(c * 16, 16)] = accs[c]
            return 0

        lax.fori_loop(0, _LBL_CHUNK, one_lbl, 0)
        pltpu.sync_copy(out_v.at[pl.ds(0, _LBL_CHUNK)],
                        lout.at[pl.ds(lbase, _LBL_CHUNK)])
        return 0

    lax.fori_loop(0, _LBL_CHUNKS, lbl_chunk, 0)


@functools.partial(
    pl.kernel,
    out_type=(jax.ShapeDtypeStruct((_B, _D), jnp.float32),
              jax.ShapeDtypeStruct((_L_PAD, _D), jnp.float32)),
    mesh=plsc.VectorSubcoreMesh(core_axis_name="c", subcore_axis_name="s"),
    scratch_types=[
        pltpu.VMEM((_LBL_CHUNK * _LNNZ,), jnp.int32),
        pltpu.VMEM((_LBL_G * 128, _D), jnp.float32),
        pltpu.VMEM((max(_LBL_CHUNK * _LNNZ, _DOC_CHUNK * _DNNZ_PAD),), jnp.float32),
        pltpu.VMEM((_LBL_CHUNK, _D), jnp.float32),
        pltpu.SemaphoreType.DMA,
    ],
    compiler_params=pltpu.CompilerParams(
        needs_layout_passes=False, use_tc_tiling_on_sc=False),
)
def _bag(tbl, lidx, lw, didx, dw, dout, lout, idx_v, rows_v, w_v, out_v, sem):
    _bag_body(tbl, lidx, lw, didx, dw, dout, lout, idx_v, rows_v, w_v, out_v, sem)


_LT = 2048
_GRID_L = _L_PAD // _LT


def _logits_body(doc_ref, wf_ref, bf_ref, lf_ref, cu_ref, cb_ref, out_ref, enc_scr):
    i = pl.program_id(0)

    @pl.when(i == 0)
    def _():
        d = doc_ref[...]
        h = jnp.dot(d, wf_ref[...], preferred_element_type=jnp.float32,
                    precision=lax.Precision.HIGHEST) + bf_ref[...]
        enc_scr[...] = d + jnp.maximum(h, 0.0)

    w = lf_ref[...] + cu_ref[...]
    out_ref[...] = lax.dot_general(
        enc_scr[...], w, (((1,), (1,)), ((), ())),
        precision=lax.Precision.HIGHEST,
        preferred_element_type=jnp.float32) + cb_ref[...]


def _logits(doc_emb, W_fine, b_fine2, label_fts, cu_p, cb_p):
    return pl.pallas_call(
        _logits_body,
        grid=(_GRID_L,),
        in_specs=[
            pl.BlockSpec((_B, _D), lambda i: (0, 0)),
            pl.BlockSpec((_D, _D), lambda i: (0, 0)),
            pl.BlockSpec((1, _D), lambda i: (0, 0)),
            pl.BlockSpec((_LT, _D), lambda i: (i, 0)),
            pl.BlockSpec((_LT, _D), lambda i: (i, 0)),
            pl.BlockSpec((1, _LT), lambda i: (0, i)),
        ],
        out_specs=pl.BlockSpec((_B, _LT), lambda i: (0, i)),
        out_shape=jax.ShapeDtypeStruct((_B, _L), jnp.float32),
        scratch_shapes=[pltpu.VMEM((_B, _D), jnp.float32)],
    )(doc_emb, W_fine, b_fine2, label_fts, cu_p, cb_p)


def kernel(X, X_w, lbl_idx, lbl_w, embed_table, W_fine, b_fine, clf_u, clf_bias):
    Xp = jnp.pad(X, ((0, 0), (0, _DNNZ_PAD - X.shape[1])), constant_values=_VOCAB)
    Xwp = jnp.pad(X_w, ((0, 0), (0, _DNNZ_PAD - X_w.shape[1])))
    didx = Xp.reshape(-1)
    dw = Xwp.reshape(-1)
    lpad = _L_PAD - _L
    lidx = jnp.pad(lbl_idx, ((0, lpad), (0, 0)), constant_values=_VOCAB).reshape(-1)
    lw = jnp.pad(lbl_w, ((0, lpad), (0, 0))).reshape(-1)

    doc_emb, label_fts = _bag(embed_table, lidx, lw, didx, dw)

    cu_p = jnp.pad(clf_u, ((0, lpad), (0, 0)))
    cb_p = jnp.pad(clf_bias, (0, lpad)).reshape(1, -1)
    return _logits(doc_emb, W_fine, b_fine.reshape(1, -1), label_fts, cu_p, cb_p)

# --- scband reference (transcript-rebuilt; emitter-appended) ---
"""Pipeline reference for scband-decafh-53944789238499 (READ-ONLY COPY).

The authoritative reference and input builder live on the scoring server;
editing this copy changes nothing except your own understanding.
"""

import jax, jax.numpy as jnp
import numpy as np

VOCAB = 1000000
PAD = VOCAB  # table has VOCAB+1 rows, last is padding
EMBED_DIM = 64
NUM_LABELS = 100000
BATCH = 1024
DOC_NNZ = 200
LBL_NNZ = 20


def setup_inputs(seed: int = 0) -> dict:
    key = jax.random.key(seed)
    k = jax.random.split(key, 10)
    X = jax.random.randint(k[0], (BATCH, DOC_NNZ), 0, VOCAB, dtype=jnp.int64 if jax.config.read('jax_enable_x64') else jnp.int32).astype(jnp.int32)
    X_w = jax.random.uniform(k[1], (BATCH, DOC_NNZ), dtype=jnp.float32)
    lbl_idx = jax.random.randint(k[2], (NUM_LABELS, LBL_NNZ), 0, VOCAB).astype(jnp.int32)
    lbl_w = jax.random.uniform(k[3], (NUM_LABELS, LBL_NNZ), dtype=jnp.float32)
    # learned parameters
    embed_table = jax.random.normal(k[4], (VOCAB + 1, EMBED_DIM), dtype=jnp.float32) * 0.05
    W_fine = jax.random.normal(k[5], (EMBED_DIM, EMBED_DIM), dtype=jnp.float32) * (1.0 / np.sqrt(EMBED_DIM))
    b_fine = jnp.zeros((EMBED_DIM,), dtype=jnp.float32)
    clf_u = jax.random.normal(k[6], (NUM_LABELS, EMBED_DIM), dtype=jnp.float32) * 0.05
    clf_bias = jnp.zeros((NUM_LABELS,), dtype=jnp.float32)
    return {
        'X': X, 'X_w': X_w, 'lbl_idx': lbl_idx, 'lbl_w': lbl_w,
        'embed_table': embed_table, 'W_fine': W_fine, 'b_fine': b_fine,
        'clf_u': clf_u, 'clf_bias': clf_bias,
    }


def reference(X, X_w, lbl_idx, lbl_w, embed_table, W_fine, b_fine, clf_u, clf_bias):
    # encode: sparse-feature embedding bag (weighted sum of word embeddings)
    doc_vecs = jnp.take(embed_table, X, axis=0)          # [B, nnz, D] gather
    doc_emb = jnp.einsum('bn,bnd->bd', X_w, doc_vecs)     # weighted sum
    # transform_fine: residual non-linear refinement
    enc = doc_emb + jax.nn.relu(doc_emb @ W_fine + b_fine)
    # clf_from_fts (LabelFts): label features = lbl_wrds (sparse) @ embed.weight
    lbl_vecs = jnp.take(embed_table, lbl_idx, axis=0)     # [L, nnz, D] gather
    label_fts = jnp.einsum('ln,lnd->ld', lbl_w, lbl_vecs) # sparse spmm as gather+weighted sum
    # clf_from_wts (CombineUV): combine label-feature classifier with free weights
    W = label_fts + clf_u                                 # [L, D]
    logits = enc @ W.T + clf_bias                         # [B, L]
    return logits

if __name__ == "__main__":
    import jax
    _d = setup_inputs()
    print(jax.jit(kernel)(*tuple(_d.values())))

</pallas_src>

<mosaic_0001>
#map = affine_map<(d0, d1) -> (0, 0)>
#map1 = affine_map<(d0, d1) -> (0)>
module attributes {stable_mosaic.version = 14 : i64} {
  func.func @_bag(%arg0: i32, %arg1: i32, %arg2: memref<1000001x64xf32, #tpu.memory_space<hbm>>, %arg3: memref<2007040xi32, #tpu.memory_space<hbm>>, %arg4: memref<2007040xf32, #tpu.memory_space<hbm>>, %arg5: memref<262144xi32, #tpu.memory_space<hbm>>, %arg6: memref<262144xf32, #tpu.memory_space<hbm>>, %arg7: memref<1024x64xf32, #tpu.memory_space<hbm>>, %arg8: memref<100352x64xf32, #tpu.memory_space<hbm>>, %arg9: memref<640xi32, #tpu.memory_space<vmem>>, %arg10: memref<640x64xf32, #tpu.memory_space<vmem>>, %arg11: memref<640xf32, #tpu.memory_space<vmem>>, %arg12: memref<32x64xf32, #tpu.memory_space<vmem>>, %arg13: memref<!tpu.dma_semaphore, #tpu.memory_space<semaphore_mem>>) attributes {dimension_semantics = [#tpu.dimension_semantics<core_parallel>, #tpu.dimension_semantics<subcore_parallel>], iteration_bounds = array<i64: 2, 16>, scalar_prefetch = 0 : i64, scratch_operands = 5 : i64, tpu.core_type = #tpu.core_type<sc_vector_subcore>, window_params = [{transform_indices = #map}, {transform_indices = #map1}, {transform_indices = #map1}, {transform_indices = #map1}, {transform_indices = #map1}, {transform_indices = #map}, {transform_indices = #map}]} {
    %mul3A = arith.constant 2 : i32
    %mul3A_0 = arith.muli %arg1, %mul3A : i32
    %add3A = arith.addi %mul3A_0, %arg0 : i32
    %broadcast_in_dim3A = arith.constant 0.000000e+00 : f32
    %broadcast_in_dim3A_1 = vector.broadcast %broadcast_in_dim3A : f32 to vector<16xf32>
    %broadcast_in_dim3A_2 = arith.constant 0.000000e+00 : f32
    %broadcast_in_dim3A_3 = vector.broadcast %broadcast_in_dim3A_2 : f32 to vector<16xf32>
    %broadcast_in_dim3A_4 = arith.constant 0.000000e+00 : f32
    %broadcast_in_dim3A_5 = vector.broadcast %broadcast_in_dim3A_4 : f32 to vector<16xf32>
    %broadcast_in_dim3A_6 = arith.constant 0.000000e+00 : f32
    %broadcast_in_dim3A_7 = vector.broadcast %broadcast_in_dim3A_6 : f32 to vector<16xf32>
    %scan3A = arith.constant 0 : i32
    %scan3A_8 = arith.constant 0 : i32
    %scan3A_9 = arith.constant 16 : i32
    %scan3A_10 = arith.addi %scan3A_8, %scan3A_9 : i32
    %scan3A_11 = arith.constant 1 : i32
    %scan3A_12 = scf.for %scan3A_21 = %scan3A_8 to %scan3A_10 step %scan3A_11 iter_args(%scan3A_22 = %scan3A) -> (i32)  : i32 {
      %mul3A_23 = arith.constant 32 : i32
      %mul3A_24 = arith.muli %add3A, %mul3A_23 : i32
      %mul3A_25 = arith.constant 2 : i32
      %mul3A_26 = arith.muli %scan3A_21, %mul3A_25 : i32
      %add3A_27 = arith.addi %mul3A_24, %mul3A_26 : i32
      %mul3A_28 = arith.constant 256 : i32
      %mul3A_29 = arith.muli %add3A_27, %mul3A_28 : i32
      "tpu.region"() ({
        %run_scoped3A = tpu.sem_alloc : memref<!tpu.dma_semaphore, #tpu.memory_space<semaphore_mem>>
        %dma_start3A_102 = arith.constant 0 : i32
        %dma_start3A_103 = tpu.memref_slice %arg9[%dma_start3A_102] : memref<640xi32, #tpu.memory_space<vmem>> -> memref<512xi32, #tpu.memory_space<vmem>>
        %dma_start3A_104 = tpu.memref_slice %arg5[%mul3A_29] : memref<262144xi32, #tpu.memory_space<hbm>> -> memref<512xi32, #tpu.memory_space<hbm>>
        %dma_start3A_105 = arith.constant 0 : i32
        %dma_start3A_106 = tpu.memref_slice %arg9[%dma_start3A_105] : memref<640xi32, #tpu.memory_space<vmem>> -> memref<512xi32, #tpu.memory_space<vmem>>
        %dma_start3A_107 = tpu.memref_slice %arg5[%mul3A_29] : memref<262144xi32, #tpu.memory_space<hbm>> -> memref<512xi32, #tpu.memory_space<hbm>>
        tpu.enqueue_dma source(%dma_start3A_107 : memref<512xi32, #tpu.memory_space<hbm>>) target(%dma_start3A_106 : memref<512xi32, #tpu.memory_space<vmem>>) target_semaphore(%run_scoped3A : memref<!tpu.dma_semaphore, #tpu.memory_space<semaphore_mem>>)
        %dma_wait3A_108 = arith.constant 0 : i32
        %dma_wait3A_109 = tpu.memref_slice %arg9[%dma_wait3A_108] : memref<640xi32, #tpu.memory_space<vmem>> -> memref<512xi32, #tpu.memory_space<vmem>>
        %dma_wait3A_110 = tpu.memref_slice %arg5[%mul3A_29] : memref<262144xi32, #tpu.memory_space<hbm>> -> memref<512xi32, #tpu.memory_space<hbm>>
        %dma_wait3A_111 = arith.constant 0 : i32
        %dma_wait3A_112 = tpu.memref_slice %arg9[%dma_wait3A_111] : memref<640xi32, #tpu.memory_space<vmem>> -> memref<512xi32, #tpu.memory_space<vmem>>
        %dma_wait3A_113 = tpu.memref_slice %arg5[%mul3A_29] : memref<262144xi32, #tpu.memory_space<hbm>> -> memref<512xi32, #tpu.memory_space<hbm>>
        tpu.wait_dma2 semaphore(%run_scoped3A : memref<!tpu.dma_semaphore, #tpu.memory_space<semaphore_mem>>) src(%dma_wait3A_113 : memref<512xi32, #tpu.memory_space<hbm>>) dst(%dma_wait3A_112 : memref<512xi32, #tpu.memory_space<vmem>>)
        tpu.yield
      }) : () -> ()
      %dma_start3A = arith.constant 0 : i32
      %dma_start3A_30 = arith.constant 0 : i32
      %dma_start3A_31 = tpu.memref_slice %arg10[%dma_start3A, %dma_start3A_30] : memref<640x64xf32, #tpu.memory_space<vmem>> -> memref<128x64xf32, #tpu.memory_space<vmem>>
      %dma_start3A_32 = arith.constant 0 : i32
      %dma_start3A_33 = tpu.memref_slice %arg9[%dma_start3A_32] : memref<640xi32, #tpu.memory_space<vmem>> -> memref<128xi32, #tpu.memory_space<vmem>>
      %dma_start3A_34 = arith.constant 0 : i32
      %dma_start3A_35 = arith.constant 0 : i32
      %dma_start3A_36 = tpu.memref_slice %arg2[%dma_start3A_34, %dma_start3A_35] : memref<1000001x64xf32, #tpu.memory_space<hbm>> -> memref<1000001x64xf32, #tpu.memory_space<hbm>>
      tpu.enqueue_indirect_dma source(%dma_start3A_36 : memref<1000001x64xf32, #tpu.memory_space<hbm>>) target(%dma_start3A_31 : memref<128x64xf32, #tpu.memory_space<vmem>>) offsets(%dma_start3A_33 : memref<128xi32, #tpu.memory_space<vmem>>) semaphore(%arg13 : memref<!tpu.dma_semaphore, #tpu.memory_space<semaphore_mem>>)
      %dma_start3A_37 = arith.constant 128 : i32
      %dma_start3A_38 = arith.constant 0 : i32
      %dma_start3A_39 = tpu.memref_slice %arg10[%dma_start3A_37, %dma_start3A_38] : memref<640x64xf32, #tpu.memory_space<vmem>> -> memref<128x64xf32, #tpu.memory_space<vmem>>
      %dma_start3A_40 = arith.constant 128 : i32
      %dma_start3A_41 = tpu.memref_slice %arg9[%dma_start3A_40] : memref<640xi32, #tpu.memory_space<vmem>> -> memref<128xi32, #tpu.memory_space<vmem>>
      %dma_start3A_42 = arith.constant 0 : i32
      %dma_start3A_43 = arith.constant 0 : i32
      %dma_start3A_44 = tpu.memref_slice %arg2[%dma_start3A_42, %dma_start3A_43] : memref<1000001x64xf32, #tpu.memory_space<hbm>> -> memref<1000001x64xf32, #tpu.memory_space<hbm>>
      tpu.enqueue_indirect_dma source(%dma_start3A_44 : memref<1000001x64xf32, #tpu.memory_space<hbm>>) target(%dma_start3A_39 : memref<128x64xf32, #tpu.memory_space<vmem>>) offsets(%dma_start3A_41 : memref<128xi32, #tpu.memory_space<vmem>>) semaphore(%arg13 : memref<!tpu.dma_semaphore, #tpu.memory_space<semaphore_mem>>)
      %dma_start3A_45 = arith.constant 256 : i32
      %dma_start3A_46 = arith.constant 0 : i32
      %dma_start3A_47 = tpu.memref_slice %arg10[%dma_start3A_45, %dma_start3A_46] : memref<640x64xf32, #tpu.memory_space<vmem>> -> memref<128x64xf32, #tpu.memory_space<vmem>>
      %dma_start3A_48 = arith.constant 256 : i32
      %dma_start3A_49 = tpu.memref_slice %arg9[%dma_start3A_48] : memref<640xi32, #tpu.memory_space<vmem>> -> memref<128xi32, #tpu.memory_space<vmem>>
      %dma_start3A_50 = arith.constant 0 : i32
      %dma_start3A_51 = arith.constant 0 : i32
      %dma_start3A_52 = tpu.memref_slice %arg2[%dma_start3A_50, %dma_start3A_51] : memref<1000001x64xf32, #tpu.memory_space<hbm>> -> memref<1000001x64xf32, #tpu.memory_space<hbm>>
      tpu.enqueue_indirect_dma source(%dma_start3A_52 : memref<1000001x64xf32, #tpu.memory_space<hbm>>) target(%dma_start3A_47 : memref<128x64xf32, #tpu.memory_space<vmem>>) offsets(%dma_start3A_49 : memref<128xi32, #tpu.memory_space<vmem>>) semaphore(%arg13 : memref<!tpu.dma_semaphore, #tpu.memory_space<semaphore_mem>>)
      %dma_start3A_53 = arith.constant 384 : i32
      %dma_start3A_54 = arith.constant 0 : i32
      %dma_start3A_55 = tpu.memref_slice %arg10[%dma_start3A_53, %dma_start3A_54] : memref<640x64xf32, #tpu.memory_space<vmem>> -> memref<128x64xf32, #tpu.memory_space<vmem>>
      %dma_start3A_56 = arith.constant 384 : i32
      %dma_start3A_57 = tpu.memref_slice %arg9[%dma_start3A_56] : memref<640xi32, #tpu.memory_space<vmem>> -> memref<128xi32, #tpu.memory_space<vmem>>
      %dma_start3A_58 = arith.constant 0 : i32
      %dma_start3A_59 = arith.constant 0 : i32
      %dma_start3A_60 = tpu.memref_slice %arg2[%dma_start3A_58, %dma_start3A_59] : memref<1000001x64xf32, #tpu.memory_space<hbm>> -> memref<1000001x64xf32, #tpu.memory_space<hbm>>
      tpu.enqueue_indirect_dma source(%dma_start3A_60 : memref<1000001x64xf32, #tpu.memory_space<hbm>>) target(%dma_start3A_55 : memref<128x64xf32, #tpu.memory_space<vmem>>) offsets(%dma_start3A_57 : memref<128xi32, #tpu.memory_space<vmem>>) semaphore(%arg13 : memref<!tpu.dma_semaphore, #tpu.memory_space<semaphore_mem>>)
      %mul3A_61 = arith.constant 256 : i32
      %mul3A_62 = arith.muli %add3A_27, %mul3A_61 : i32
      "tpu.region"() ({
        %run_scoped3A = tpu.sem_alloc : memref<!tpu.dma_semaphore, #tpu.memory_space<semaphore_mem>>
        %dma_start3A_102 = arith.constant 0 : i32
        %dma_start3A_103 = tpu.memref_slice %arg11[%dma_start3A_102] : memref<640xf32, #tpu.memory_space<vmem>> -> memref<512xf32, #tpu.memory_space<vmem>>
        %dma_start3A_104 = tpu.memref_slice %arg6[%mul3A_62] : memref<262144xf32, #tpu.memory_space<hbm>> -> memref<512xf32, #tpu.memory_space<hbm>>
        %dma_start3A_105 = arith.constant 0 : i32
        %dma_start3A_106 = tpu.memref_slice %arg11[%dma_start3A_105] : memref<640xf32, #tpu.memory_space<vmem>> -> memref<512xf32, #tpu.memory_space<vmem>>
        %dma_start3A_107 = tpu.memref_slice %arg6[%mul3A_62] : memref<262144xf32, #tpu.memory_space<hbm>> -> memref<512xf32, #tpu.memory_space<hbm>>
        tpu.enqueue_dma source(%dma_start3A_107 : memref<512xf32, #tpu.memory_space<hbm>>) target(%dma_start3A_106 : memref<512xf32, #tpu.memory_space<vmem>>) target_semaphore(%run_scoped3A : memref<!tpu.dma_semaphore, #tpu.memory_space<semaphore_mem>>)
        %dma_wait3A_108 = arith.constant 0 : i32
        %dma_wait3A_109 = tpu.memref_slice %arg11[%dma_wait3A_108] : memref<640xf32, #tpu.memory_space<vmem>> -> memref<512xf32, #tpu.memory_space<vmem>>
        %dma_wait3A_110 = tpu.memref_slice %arg6[%mul3A_62] : memref<262144xf32, #tpu.memory_space<hbm>> -> memref<512xf32, #tpu.memory_space<hbm>>
        %dma_wait3A_111 = arith.constant 0 : i32
        %dma_wait3A_112 = tpu.memref_slice %arg11[%dma_wait3A_111] : memref<640xf32, #tpu.memory_space<vmem>> -> memref<512xf32, #tpu.memory_space<vmem>>
        %dma_wait3A_113 = tpu.memref_slice %arg6[%mul3A_62] : memref<262144xf32, #tpu.memory_space<hbm>> -> memref<512xf32, #tpu.memory_space<hbm>>
        tpu.wait_dma2 semaphore(%run_scoped3A : memref<!tpu.dma_semaphore, #tpu.memory_space<semaphore_mem>>) src(%dma_wait3A_113 : memref<512xf32, #tpu.memory_space<hbm>>) dst(%dma_wait3A_112 : memref<512xf32, #tpu.memory_space<vmem>>)
        tpu.yield
      }) : () -> ()
      %dma_wait3A = arith.constant 0 : i32
      %dma_wait3A_63 = arith.constant 0 : i32
      %dma_wait3A_64 = tpu.memref_slice %arg10[%dma_wait3A, %dma_wait3A_63] : memref<640x64xf32, #tpu.memory_space<vmem>> -> memref<128x64xf32, #tpu.memory_space<vmem>>
      %dma_wait3A_65 = arith.constant 0 : i32
      %dma_wait3A_66 = tpu.memref_slice %arg9[%dma_wait3A_65] : memref<640xi32, #tpu.memory_space<vmem>> -> memref<128xi32, #tpu.memory_space<vmem>>
      %dma_wait3A_67 = arith.constant 0 : i32
      %dma_wait3A_68 = arith.constant 0 : i32
      %dma_wait3A_69 = tpu.memref_slice %arg2[%dma_wait3A_67, %dma_wait3A_68] : memref<1000001x64xf32, #tpu.memory_space<hbm>> -> memref<1000001x64xf32, #tpu.memory_space<hbm>>
      tpu.wait_indirect_dma semaphore(%arg13 : memref<!tpu.dma_semaphore, #tpu.memory_space<semaphore_mem>>) src(%dma_wait3A_69 : memref<1000001x64xf32, #tpu.memory_space<hbm>>) dst(%dma_wait3A_64 : memref<128x64xf32, #tpu.memory_space<vmem>>)
      %dma_wait3A_70 = arith.constant 128 : i32
      %dma_wait3A_71 = arith.constant 0 : i32
      %dma_wait3A_72 = tpu.memref_slice %arg10[%dma_wait3A_70, %dma_wait3A_71] : memref<640x64xf32, #tpu.memory_space<vmem>> -> memref<128x64xf32, #tpu.memory_space<vmem>>
      %dma_wait3A_73 = arith.constant 128 : i32
      %dma_wait3A_74 = tpu.memref_slice %arg9[%dma_wait3A_73] : memref<640xi32, #tpu.memory_space<vmem>> -> memref<128xi32, #tpu.memory_space<vmem>>
      %dma_wait3A_75 = arith.constant 0 : i32
      %dma_wait3A_76 = arith.constant 0 : i32
      %dma_wait3A_77 = tpu.memref_slice %arg2[%dma_wait3A_75, %dma_wait3A_76] : memref<1000001x64xf32, #tpu.memory_space<hbm>> -> memref<1000001x64xf32, #tpu.memory_space<hbm>>
      tpu.wait_indirect_dma semaphore(%arg13 : memref<!tpu.dma_semaphore, #tpu.memory_space<semaphore_mem>>) src(%dma_wait3A_77 : memref<1000001x64xf32, #tpu.memory_space<hbm>>) dst(%dma_wait3A_72 : memref<128x64xf32, #tpu.memory_space<vmem>>)
      %dma_wait3A_78 = arith.constant 256 : i32
      %dma_wait3A_79 = arith.constant 0 : i32
      %dma_wait3A_80 = tpu.memref_slice %arg10[%dma_wait3A_78, %dma_wait3A_79] : memref<640x64xf32, #tpu.memory_space<vmem>> -> memref<128x64xf32, #tpu.memory_space<vmem>>
      %dma_wait3A_81 = arith.constant 256 : i32
      %dma_wait3A_82 = tpu.memref_slice %arg9[%dma_wait3A_81] : memref<640xi32, #tpu.memory_space<vmem>> -> memref<128xi32, #tpu.memory_space<vmem>>
      %dma_wait3A_83 = arith.constant 0 : i32
      %dma_wait3A_84 = arith.constant 0 : i32
      %dma_wait3A_85 = tpu.memref_slice %arg2[%dma_wait3A_83, %dma_wait3A_84] : memref<1000001x64xf32, #tpu.memory_space<hbm>> -> memref<1000001x64xf32, #tpu.memory_space<hbm>>
      tpu.wait_indirect_dma semaphore(%arg13 : memref<!tpu.dma_semaphore, #tpu.memory_space<semaphore_mem>>) src(%dma_wait3A_85 : memref<1000001x64xf32, #tpu.memory_space<hbm>>) dst(%dma_wait3A_80 : memref<128x64xf32, #tpu.memory_space<vmem>>)
      %dma_wait3A_86 = arith.constant 384 : i32
      %dma_wait3A_87 = arith.constant 0 : i32
      %dma_wait3A_88 = tpu.memref_slice %arg10[%dma_wait3A_86, %dma_wait3A_87] : memref<640x64xf32, #tpu.memory_space<vmem>> -> memref<128x64xf32, #tpu.memory_space<vmem>>
      %dma_wait3A_89 = arith.constant 384 : i32
      %dma_wait3A_90 = tpu.memref_slice %arg9[%dma_wait3A_89] : memref<640xi32, #tpu.memory_space<vmem>> -> memref<128xi32, #tpu.memory_space<vmem>>
      %dma_wait3A_91 = arith.constant 0 : i32
      %dma_wait3A_92 = arith.constant 0 : i32
      %dma_wait3A_93 = tpu.memref_slice %arg2[%dma_wait3A_91, %dma_wait3A_92] : memref<1000001x64xf32, #tpu.memory_space<hbm>> -> memref<1000001x64xf32, #tpu.memory_space<hbm>>
      tpu.wait_indirect_dma semaphore(%arg13 : memref<!tpu.dma_semaphore, #tpu.memory_space<semaphore_mem>>) src(%dma_wait3A_93 : memref<1000001x64xf32, #tpu.memory_space<hbm>>) dst(%dma_wait3A_88 : memref<128x64xf32, #tpu.memory_space<vmem>>)
      %scan3A_94 = arith.constant 0 : i32
      %scan3A_95 = arith.constant 0 : i32
      %scan3A_96 = arith.constant 2 : i32
      %scan3A_97 = arith.addi %scan3A_95, %scan3A_96 : i32
      %scan3A_98 = arith.constant 1 : i32
      %scan3A_99 = scf.for %scan3A_102 = %scan3A_95 to %scan3A_97 step %scan3A_98 iter_args(%scan3A_103 = %scan3A_94) -> (i32)  : i32 {
        %scan3A_104 = arith.constant 0 : i32
        %scan3A_105 = arith.constant 16 : i32
        %scan3A_106 = arith.addi %scan3A_104, %scan3A_105 : i32
        %scan3A_107 = arith.constant 1 : i32
        %scan3A_108:4 = scf.for %scan3A_122 = %scan3A_104 to %scan3A_106 step %scan3A_107 iter_args(%scan3A_123 = %broadcast_in_dim3A_1, %scan3A_124 = %broadcast_in_dim3A_3, %scan3A_125 = %broadcast_in_dim3A_5, %scan3A_126 = %broadcast_in_dim3A_7) -> (vector<16xf32>, vector<16xf32>, vector<16xf32>, vector<16xf32>)  : i32 {
          %mul3A_127 = arith.constant 256 : i32
          %mul3A_128 = arith.muli %scan3A_102, %mul3A_127 : i32
          %mul3A_129 = arith.constant 16 : i32
          %mul3A_130 = arith.muli %scan3A_122, %mul3A_129 : i32
          %add3A_131 = arith.addi %mul3A_128, %mul3A_130 : i32
          %add3A_132 = arith.constant 0 : i32
          %add3A_133 = arith.addi %add3A_131, %add3A_132 : i32
          %broadcast_in_dim3A_134 = vector.broadcast %add3A_133 : i32 to vector<16xi32>
          %gather3A = tpu.vector_load_idx %arg11[%broadcast_in_dim3A_134] : memref<640xf32, #tpu.memory_space<vmem>>[vector<16xi32>], vector<16xf32>,
          %get3A = arith.index_cast %add3A_133 : i32 to index
          %get3A_135 = arith.constant 0 : index
          %get3A_136 = tpu.vector_load %arg10[%get3A, %get3A_135] {strides = array<i32>} : memref<640x64xf32, #tpu.memory_space<vmem>>, vector<16xf32>,
          %mul3A_137 = arith.mulf %gather3A, %get3A_136 : vector<16xf32>
          %add3A_138 = arith.addf %scan3A_123, %mul3A_137 : vector<16xf32>
          %get3A_139 = arith.index_cast %add3A_133 : i32 to index
          %get3A_140 = arith.constant 16 : index
          %get3A_141 = tpu.vector_load %arg10[%get3A_139, %get3A_140] {strides = array<i32>} : memref<640x64xf32, #tpu.memory_space<vmem>>, vector<16xf32>,
          %mul3A_142 = arith.mulf %gather3A, %get3A_141 : vector<16xf32>
          %add3A_143 = arith.addf %scan3A_124, %mul3A_142 : vector<16xf32>
          %get3A_144 = arith.index_cast %add3A_133 : i32 to index
          %get3A_145 = arith.constant 32 : index
          %get3A_146 = tpu.vector_load %arg10[%get3A_144, %get3A_145] {strides = array<i32>} : memref<640x64xf32, #tpu.memory_space<vmem>>, vector<16xf32>,
          %mul3A_147 = arith.mulf %gather3A, %get3A_146 : vector<16xf32>
          %add3A_148 = arith.addf %scan3A_125, %mul3A_147 : vector<16xf32>
          %get3A_149 = arith.index_cast %add3A_133 : i32 to index
          %get3A_150 = arith.constant 48 : index
          %get3A_151 = tpu.vector_load %arg10[%get3A_149, %get3A_150] {strides = array<i32>} : memref<640x64xf32, #tpu.memory_space<vmem>>, vector<16xf32>,
          %mul3A_152 = arith.mulf %gather3A, %get3A_151 : vector<16xf32>
          %add3A_153 = arith.addf %scan3A_126, %mul3A_152 : vector<16xf32>
          %add3A_154 = arith.constant 1 : i32
          %add3A_155 = arith.addi %add3A_131, %add3A_154 : i32
          %broadcast_in_dim3A_156 = vector.broadcast %add3A_155 : i32 to vector<16xi32>
          %gather3A_157 = tpu.vector_load_idx %arg11[%broadcast_in_dim3A_156] : memref<640xf32, #tpu.memory_space<vmem>>[vector<16xi32>], vector<16xf32>,
          %get3A_158 = arith.index_cast %add3A_155 : i32 to index
          %get3A_159 = arith.constant 0 : index
          %get3A_160 = tpu.vector_load %arg10[%get3A_158, %get3A_159] {strides = array<i32>} : memref<640x64xf32, #tpu.memory_space<vmem>>, vector<16xf32>,
          %mul3A_161 = arith.mulf %gather3A_157, %get3A_160 : vector<16xf32>
          %add3A_162 = arith.addf %add3A_138, %mul3A_161 : vector<16xf32>
          %get3A_163 = arith.index_cast %add3A_155 : i32 to index
          %get3A_164 = arith.constant 16 : index
          %get3A_165 = tpu.vector_load %arg10[%get3A_163, %get3A_164] {strides = array<i32>} : memref<640x64xf32, #tpu.memory_space<vmem>>, vector<16xf32>,
          %mul3A_166 = arith.mulf %gather3A_157, %get3A_165 : vector<16xf32>
          %add3A_167 = arith.addf %add3A_143, %mul3A_166 : vector<16xf32>
          %get3A_168 = arith.index_cast %add3A_155 : i32 to index
          %get3A_169 = arith.constant 32 : index
          %get3A_170 = tpu.vector_load %arg10[%get3A_168, %get3A_169] {strides = array<i32>} : memref<640x64xf32, #tpu.memory_space<vmem>>, vector<16xf32>,
          %mul3A_171 = arith.mulf %gather3A_157, %get3A_170 : vector<16xf32>
          %add3A_172 = arith.addf %add3A_148, %mul3A_171 : vector<16xf32>
          %get3A_173 = arith.index_cast %add3A_155 : i32 to index
          %get3A_174 = arith.constant 48 : index
          %get3A_175 = tpu.vector_load %arg10[%get3A_173, %get3A_174] {strides = array<i32>} : memref<640x64xf32, #tpu.memory_space<vmem>>, vector<16xf32>,
          %mul3A_176 = arith.mulf %gather3A_157, %get3A_175 : vector<16xf32>
          %add3A_177 = arith.addf %add3A_153, %mul3A_176 : vector<16xf32>
          %add3A_178 = arith.constant 2 : i32
          %add3A_179 = arith.addi %add3A_131, %add3A_178 : i32
          %broadcast_in_dim3A_180 = vector.broadcast %add3A_179 : i32 to vector<16xi32>
          %gather3A_181 = tpu.vector_load_idx %arg11[%broadcast_in_dim3A_180] : memref<640xf32, #tpu.memory_space<vmem>>[vector<16xi32>], vector<16xf32>,
          %get3A_182 = arith.index_cast %add3A_179 : i32 to index
          %get3A_183 = arith.constant 0 : index
          %get3A_184 = tpu.vector_load %arg10[%get3A_182, %get3A_183] {strides = array<i32>} : memref<640x64xf32, #tpu.memory_space<vmem>>, vector<16xf32>,
          %mul3A_185 = arith.mulf %gather3A_181, %get3A_184 : vector<16xf32>
          %add3A_186 = arith.addf %add3A_162, %mul3A_185 : vector<16xf32>
          %get3A_187 = arith.index_cast %add3A_179 : i32 to index
          %get3A_188 = arith.constant 16 : index
          %get3A_189 = tpu.vector_load %arg10[%get3A_187, %get3A_188] {strides = array<i32>} : memref<640x64xf32, #tpu.memory_space<vmem>>, vector<16xf32>,
          %mul3A_190 = arith.mulf %gather3A_181, %get3A_189 : vector<16xf32>
          %add3A_191 = arith.addf %add3A_167, %mul3A_190 : vector<16xf32>
          %get3A_192 = arith.index_cast %add3A_179 : i32 to index
          %get3A_193 = arith.constant 32 : index
          %get3A_194 = tpu.vector_load %arg10[%get3A_192, %get3A_193] {strides = array<i32>} : memref<640x64xf32, #tpu.memory_space<vmem>>, vector<16xf32>,
          %mul3A_195 = arith.mulf %gather3A_181, %get3A_194 : vector<16xf32>
          %add3A_196 = arith.addf %add3A_172, %mul3A_195 : vector<16xf32>
          %get3A_197 = arith.index_cast %add3A_179 : i32 to index
          %get3A_198 = arith.constant 48 : index
          %get3A_199 = tpu.vector_load %arg10[%get3A_197, %get3A_198] {strides = array<i32>} : memref<640x64xf32, #tpu.memory_space<vmem>>, vector<16xf32>,
          %mul3A_200 = arith.mulf %gather3A_181, %get3A_199 : vector<16xf32>
          %add3A_201 = arith.addf %add3A_177, %mul3A_200 : vector<16xf32>
          %add3A_202 = arith.constant 3 : i32
          %add3A_203 = arith.addi %add3A_131, %add3A_202 : i32
          %broadcast_in_dim3A_204 = vector.broadcast %add3A_203 : i32 to vector<16xi32>
          %gather3A_205 = tpu.vector_load_idx %arg11[%broadcast_in_dim3A_204] : memref<640xf32, #tpu.memory_space<vmem>>[vector<16xi32>], vector<16xf32>,
          %get3A_206 = arith.index_cast %add3A_203 : i32 to index
          %get3A_207 = arith.constant 0 : index
          %get3A_208 = tpu.vector_load %arg10[%get3A_206, %get3A_207] {strides = array<i32>} : memref<640x64xf32, #tpu.memory_space<vmem>>, vector<16xf32>,
          %mul3A_209 = arith.mulf %gather3A_205, %get3A_208 : vector<16xf32>
          %add3A_210 = arith.addf %add3A_186, %mul3A_209 : vector<16xf32>
          %get3A_211 = arith.index_cast %add3A_203 : i32 to index
          %get3A_212 = arith.constant 16 : index
          %get3A_213 = tpu.vector_load %arg10[%get3A_211, %get3A_212] {strides = array<i32>} : memref<640x64xf32, #tpu.memory_space<vmem>>, vector<16xf32>,
          %mul3A_214 = arith.mulf %gather3A_205, %get3A_213 : vector<16xf32>
          %add3A_215 = arith.addf %add3A_191, %mul3A_214 : vector<16xf32>
          %get3A_216 = arith.index_cast %add3A_203 : i32 to index
          %get3A_217 = arith.constant 32 : index
          %get3A_218 = tpu.vector_load %arg10[%get3A_216, %get3A_217] {strides = array<i32>} : memref<640x64xf32, #tpu.memory_space<vmem>>, vector<16xf32>,
          %mul3A_219 = arith.mulf %gather3A_205, %get3A_218 : vector<16xf32>
          %add3A_220 = arith.addf %add3A_196, %mul3A_219 : vector<16xf32>
          %get3A_221 = arith.index_cast %add3A_203 : i32 to index
          %get3A_222 = arith.constant 48 : index
          %get3A_223 = tpu.vector_load %arg10[%get3A_221, %get3A_222] {strides = array<i32>} : memref<640x64xf32, #tpu.memory_space<vmem>>, vector<16xf32>,
          %mul3A_224 = arith.mulf %gather3A_205, %get3A_223 : vector<16xf32>
          %add3A_225 = arith.addf %add3A_201, %mul3A_224 : vector<16xf32>
          %add3A_226 = arith.constant 4 : i32
          %add3A_227 = arith.addi %add3A_131, %add3A_226 : i32
          %broadcast_in_dim3A_228 = vector.broadcast %add3A_227 : i32 to vector<16xi32>
          %gather3A_229 = tpu.vector_load_idx %arg11[%broadcast_in_dim3A_228] : memref<640xf32, #tpu.memory_space<vmem>>[vector<16xi32>], vector<16xf32>,
          %get3A_230 = arith.index_cast %add3A_227 : i32 to index
          %get3A_231 = arith.constant 0 : index
          %get3A_232 = tpu.vector_load %arg10[%get3A_230, %get3A_231] {strides = array<i32>} : memref<640x64xf32, #tpu.memory_space<vmem>>, vector<16xf32>,
          %mul3A_233 = arith.mulf %gather3A_229, %get3A_232 : vector<16xf32>
          %add3A_234 = arith.addf %add3A_210, %mul3A_233 : vector<16xf32>
          %get3A_235 = arith.index_cast %add3A_227 : i32 to index
          %get3A_236 = arith.constant 16 : index
          %get3A_237 = tpu.vector_load %arg10[%get3A_235, %get3A_236] {strides = array<i32>} : memref<640x64xf32, #tpu.memory_space<vmem>>, vector<16xf32>,
          %mul3A_238 = arith.mulf %gather3A_229, %get3A_237 : vector<16xf32>
          %add3A_239 = arith.addf %add3A_215, %mul3A_238 : vector<16xf32>
          %get3A_240 = arith.index_cast %add3A_227 : i32 to index
          %get3A_241 = arith.constant 32 : index
          %get3A_242 = tpu.vector_load %arg10[%get3A_240, %get3A_241] {strides = array<i32>} : memref<640x64xf32, #tpu.memory_space<vmem>>, vector<16xf32>,
          %mul3A_243 = arith.mulf %gather3A_229, %get3A_242 : vector<16xf32>
          %add3A_244 = arith.addf %add3A_220, %mul3A_243 : vector<16xf32>
          %get3A_245 = arith.index_cast %add3A_227 : i32 to index
          %get3A_246 = arith.constant 48 : index
          %get3A_247 = tpu.vector_load %arg10[%get3A_245, %get3A_246] {strides = array<i32>} : memref<640x64xf32, #tpu.memory_space<vmem>>, vector<16xf32>,
          %mul3A_248 = arith.mulf %gather3A_229, %get3A_247 : vector<16xf32>
          %add3A_249 = arith.addf %add3A_225, %mul3A_248 : vector<16xf32>
          %add3A_250 = arith.constant 5 : i32
          %add3A_251 = arith.addi %add3A_131, %add3A_250 : i32
          %broadcast_in_dim3A_252 = vector.broadcast %add3A_251 : i32 to vector<16xi32>
          %gather3A_253 = tpu.vector_load_idx %arg11[%broadcast_in_dim3A_252] : memref<640xf32, #tpu.memory_space<vmem>>[vector<16xi32>], vector<16xf32>,
          %get3A_254 = arith.index_cast %add3A_251 : i32 to index
          %get3A_255 = arith.constant 0 : index
          %get3A_256 = tpu.vector_load %arg10[%get3A_254, %get3A_255] {strides = array<i32>} : memref<640x64xf32, #tpu.memory_space<vmem>>, vector<16xf32>,
          %mul3A_257 = arith.mulf %gather3A_253, %get3A_256 : vector<16xf32>
          %add3A_258 = arith.addf %add3A_234, %mul3A_257 : vector<16xf32>
          %get3A_259 = arith.index_cast %add3A_251 : i32 to index
          %get3A_260 = arith.constant 16 : index
          %get3A_261 = tpu.vector_load %arg10[%get3A_259, %get3A_260] {strides = array<i32>} : memref<640x64xf32, #tpu.memory_space<vmem>>, vector<16xf32>,
          %mul3A_262 = arith.mulf %gather3A_253, %get3A_261 : vector<16xf32>
          %add3A_263 = arith.addf %add3A_239, %mul3A_262 : vector<16xf32>
          %get3A_264 = arith.index_cast %add3A_251 : i32 to index
          %get3A_265 = arith.constant 32 : index
          %get3A_266 = tpu.vector_load %arg10[%get3A_264, %get3A_265] {strides = array<i32>} : memref<640x64xf32, #tpu.memory_space<vmem>>, vector<16xf32>,
          %mul3A_267 = arith.mulf %gather3A_253, %get3A_266 : vector<16xf32>
          %add3A_268 = arith.addf %add3A_244, %mul3A_267 : vector<16xf32>
          %get3A_269 = arith.index_cast %add3A_251 : i32 to index
          %get3A_270 = arith.constant 48 : index
          %get3A_271 = tpu.vector_load %arg10[%get3A_269, %get3A_270] {strides = array<i32>} : memref<640x64xf32, #tpu.memory_space<vmem>>, vector<16xf32>,
          %mul3A_272 = arith.mulf %gather3A_253, %get3A_271 : vector<16xf32>
          %add3A_273 = arith.addf %add3A_249, %mul3A_272 : vector<16xf32>
          %add3A_274 = arith.constant 6 : i32
          %add3A_275 = arith.addi %add3A_131, %add3A_274 : i32
          %broadcast_in_dim3A_276 = vector.broadcast %add3A_275 : i32 to vector<16xi32>
          %gather3A_277 = tpu.vector_load_idx %arg11[%broadcast_in_dim3A_276] : memref<640xf32, #tpu.memory_space<vmem>>[vector<16xi32>], vector<16xf32>,
          %get3A_278 = arith.index_cast %add3A_275 : i32 to index
          %get3A_279 = arith.constant 0 : index
          %get3A_280 = tpu.vector_load %arg10[%get3A_278, %get3A_279] {strides = array<i32>} : memref<640x64xf32, #tpu.memory_space<vmem>>, vector<16xf32>,
          %mul3A_281 = arith.mulf %gather3A_277, %get3A_280 : vector<16xf32>
          %add3A_282 = arith.addf %add3A_258, %mul3A_281 : vector<16xf32>
          %get3A_283 = arith.index_cast %add3A_275 : i32 to index
          %get3A_284 = arith.constant 16 : index
          %get3A_285 = tpu.vector_load %arg10[%get3A_283, %get3A_284] {strides = array<i32>} : memref<640x64xf32, #tpu.memory_space<vmem>>, vector<16xf32>,
          %mul3A_286 = arith.mulf %gather3A_277, %get3A_285 : vector<16xf32>
          %add3A_287 = arith.addf %add3A_263, %mul3A_286 : vector<16xf32>
          %get3A_288 = arith.index_cast %add3A_275 : i32 to index
          %get3A_289 = arith.constant 32 : index
          %get3A_290 = tpu.vector_load %arg10[%get3A_288, %get3A_289] {strides = array<i32>} : memref<640x64xf32, #tpu.memory_space<vmem>>, vector<16xf32>,
          %mul3A_291 = arith.mulf %gather3A_277, %get3A_290 : vector<16xf32>
          %add3A_292 = arith.addf %add3A_268, %mul3A_291 : vector<16xf32>
          %get3A_293 = arith.index_cast %add3A_275 : i32 to index
          %get3A_294 = arith.constant 48 : index
          %get3A_295 = tpu.vector_load %arg10[%get3A_293, %get3A_294] {strides = array<i32>} : memref<640x64xf32, #tpu.memory_space<vmem>>, vector<16xf32>,
          %mul3A_296 = arith.mulf %gather3A_277, %get3A_295 : vector<16xf32>
          %add3A_297 = arith.addf %add3A_273, %mul3A_296 : vector<16xf32>
          %add3A_298 = arith.constant 7 : i32
          %add3A_299 = arith.addi %add3A_131, %add3A_298 : i32
          %broadcast_in_dim3A_300 = vector.broadcast %add3A_299 : i32 to vector<16xi32>
          %gather3A_301 = tpu.vector_load_idx %arg11[%broadcast_in_dim3A_300] : memref<640xf32, #tpu.memory_space<vmem>>[vector<16xi32>], vector<16xf32>,
          %get3A_302 = arith.index_cast %add3A_299 : i32 to index
          %get3A_303 = arith.constant 0 : index
          %get3A_304 = tpu.vector_load %arg10[%get3A_302, %get3A_303] {strides = array<i32>} : memref<640x64xf32, #tpu.memory_space<vmem>>, vector<16xf32>,
          %mul3A_305 = arith.mulf %gather3A_301, %get3A_304 : vector<16xf32>
          %add3A_306 = arith.addf %add3A_282, %mul3A_305 : vector<16xf32>
          %get3A_307 = arith.index_cast %add3A_299 : i32 to index
          %get3A_308 = arith.constant 16 : index
          %get3A_309 = tpu.vector_load %arg10[%get3A_307, %get3A_308] {strides = array<i32>} : memref<640x64xf32, #tpu.memory_space<vmem>>, vector<16xf32>,
          %mul3A_310 = arith.mulf %gather3A_301, %get3A_309 : vector<16xf32>
          %add3A_311 = arith.addf %add3A_287, %mul3A_310 : vector<16xf32>
          %get3A_312 = arith.index_cast %add3A_299 : i32 to index
          %get3A_313 = arith.constant 32 : index
          %get3A_314 = tpu.vector_load %arg10[%get3A_312, %get3A_313] {strides = array<i32>} : memref<640x64xf32, #tpu.memory_space<vmem>>, vector<16xf32>,
          %mul3A_315 = arith.mulf %gather3A_301, %get3A_314 : vector<16xf32>
          %add3A_316 = arith.addf %add3A_292, %mul3A_315 : vector<16xf32>
          %get3A_317 = arith.index_cast %add3A_299 : i32 to index
          %get3A_318 = arith.constant 48 : index
          %get3A_319 = tpu.vector_load %arg10[%get3A_317, %get3A_318] {strides = array<i32>} : memref<640x64xf32, #tpu.memory_space<vmem>>, vector<16xf32>,
          %mul3A_320 = arith.mulf %gather3A_301, %get3A_319 : vector<16xf32>
          %add3A_321 = arith.addf %add3A_297, %mul3A_320 : vector<16xf32>
          %add3A_322 = arith.constant 8 : i32
          %add3A_323 = arith.addi %add3A_131, %add3A_322 : i32
          %broadcast_in_dim3A_324 = vector.broadcast %add3A_323 : i32 to vector<16xi32>
          %gather3A_325 = tpu.vector_load_idx %arg11[%broadcast_in_dim3A_324] : memref<640xf32, #tpu.memory_space<vmem>>[vector<16xi32>], vector<16xf32>,
          %get3A_326 = arith.index_cast %add3A_323 : i32 to index
          %get3A_327 = arith.constant 0 : index
          %get3A_328 = tpu.vector_load %arg10[%get3A_326, %get3A_327] {strides = array<i32>} : memref<640x64xf32, #tpu.memory_space<vmem>>, vector<16xf32>,
          %mul3A_329 = arith.mulf %gather3A_325, %get3A_328 : vector<16xf32>
          %add3A_330 = arith.addf %add3A_306, %mul3A_329 : vector<16xf32>
          %get3A_331 = arith.index_cast %add3A_323 : i32 to index
          %get3A_332 = arith.constant 16 : index
          %get3A_333 = tpu.vector_load %arg10[%get3A_331, %get3A_332] {strides = array<i32>} : memref<640x64xf32, #tpu.memory_space<vmem>>, vector<16xf32>,
          %mul3A_334 = arith.mulf %gather3A_325, %get3A_333 : vector<16xf32>
          %add3A_335 = arith.addf %add3A_311, %mul3A_334 : vector<16xf32>
          %get3A_336 = arith.index_cast %add3A_323 : i32 to index
          %get3A_337 = arith.constant 32 : index
          %get3A_338 = tpu.vector_load %arg10[%get3A_336, %get3A_337] {strides = array<i32>} : memref<640x64xf32, #tpu.memory_space<vmem>>, vector<16xf32>,
          %mul3A_339 = arith.mulf %gather3A_325, %get3A_338 : vector<16xf32>
          %add3A_340 = arith.addf %add3A_316, %mul3A_339 : vector<16xf32>
          %get3A_341 = arith.index_cast %add3A_323 : i32 to index
          %get3A_342 = arith.constant 48 : index
          %get3A_343 = tpu.vector_load %arg10[%get3A_341, %get3A_342] {strides = array<i32>} : memref<640x64xf32, #tpu.memory_space<vmem>>, vector<16xf32>,
          %mul3A_344 = arith.mulf %gather3A_325, %get3A_343 : vector<16xf32>
          %add3A_345 = arith.addf %add3A_321, %mul3A_344 : vector<16xf32>
          %add3A_346 = arith.constant 9 : i32
          %add3A_347 = arith.addi %add3A_131, %add3A_346 : i32
          %broadcast_in_dim3A_348 = vector.broadcast %add3A_347 : i32 to vector<16xi32>
          %gather3A_349 = tpu.vector_load_idx %arg11[%broadcast_in_dim3A_348] : memref<640xf32, #tpu.memory_space<vmem>>[vector<16xi32>], vector<16xf32>,
          %get3A_350 = arith.index_cast %add3A_347 : i32 to index
          %get3A_351 = arith.constant 0 : index
          %get3A_352 = tpu.vector_load %arg10[%get3A_350, %get3A_351] {strides = array<i32>} : memref<640x64xf32, #tpu.memory_space<vmem>>, vector<16xf32>,
          %mul3A_353 = arith.mulf %gather3A_349, %get3A_352 : vector<16xf32>
          %add3A_354 = arith.addf %add3A_330, %mul3A_353 : vector<16xf32>
          %get3A_355 = arith.index_cast %add3A_347 : i32 to index
          %get3A_356 = arith.constant 16 : index
          %get3A_357 = tpu.vector_load %arg10[%get3A_355, %get3A_356] {strides = array<i32>} : memref<640x64xf32, #tpu.memory_space<vmem>>, vector<16xf32>,
          %mul3A_358 = arith.mulf %gather3A_349, %get3A_357 : vector<16xf32>
          %add3A_359 = arith.addf %add3A_335, %mul3A_358 : vector<16xf32>
          %get3A_360 = arith.index_cast %add3A_347 : i32 to index
          %get3A_361 = arith.constant 32 : index
          %get3A_362 = tpu.vector_load %arg10[%get3A_360, %get3A_361] {strides = array<i32>} : memref<640x64xf32, #tpu.memory_space<vmem>>, vector<16xf32>,
          %mul3A_363 = arith.mulf %gather3A_349, %get3A_362 : vector<16xf32>
          %add3A_364 = arith.addf %add3A_340, %mul3A_363 : vector<16xf32>
          %get3A_365 = arith.index_cast %add3A_347 : i32 to index
          %get3A_366 = arith.constant 48 : index
          %get3A_367 = tpu.vector_load %arg10[%get3A_365, %get3A_366] {strides = array<i32>} : memref<640x64xf32, #tpu.memory_space<vmem>>, vector<16xf32>,
          %mul3A_368 = arith.mulf %gather3A_349, %get3A_367 : vector<16xf32>
          %add3A_369 = arith.addf %add3A_345, %mul3A_368 : vector<16xf32>
          %add3A_370 = arith.constant 10 : i32
          %add3A_371 = arith.addi %add3A_131, %add3A_370 : i32
          %broadcast_in_dim3A_372 = vector.broadcast %add3A_371 : i32 to vector<16xi32>
          %gather3A_373 = tpu.vector_load_idx %arg11[%broadcast_in_dim3A_372] : memref<640xf32, #tpu.memory_space<vmem>>[vector<16xi32>], vector<16xf32>,
          %get3A_374 = arith.index_cast %add3A_371 : i32 to index
          %get3A_375 = arith.constant 0 : index
          %get3A_376 = tpu.vector_load %arg10[%get3A_374, %get3A_375] {strides = array<i32>} : memref<640x64xf32, #tpu.memory_space<vmem>>, vector<16xf32>,
          %mul3A_377 = arith.mulf %gather3A_373, %get3A_376 : vector<16xf32>
          %add3A_378 = arith.addf %add3A_354, %mul3A_377 : vector<16xf32>
          %get3A_379 = arith.index_cast %add3A_371 : i32 to index
          %get3A_380 = arith.constant 16 : index
          %get3A_381 = tpu.vector_load %arg10[%get3A_379, %get3A_380] {strides = array<i32>} : memref<640x64xf32, #tpu.memory_space<vmem>>, vector<16xf32>,
          %mul3A_382 = arith.mulf %gather3A_373, %get3A_381 : vector<16xf32>
          %add3A_383 = arith.addf %add3A_359, %mul3A_382 : vector<16xf32>
          %get3A_384 = arith.index_cast %add3A_371 : i32 to index
          %get3A_385 = arith.constant 32 : index
          %get3A_386 = tpu.vector_load %arg10[%get3A_384, %get3A_385] {strides = array<i32>} : memref<640x64xf32, #tpu.memory_space<vmem>>, vector<16xf32>,
          %mul3A_387 = arith.mulf %gather3A_373, %get3A_386 : vector<16xf32>
          %add3A_388 = arith.addf %add3A_364, %mul3A_387 : vector<16xf32>
          %get3A_389 = arith.index_cast %add3A_371 : i32 to index
          %get3A_390 = arith.constant 48 : index
          %get3A_391 = tpu.vector_load %arg10[%get3A_389, %get3A_390] {strides = array<i32>} : memref<640x64xf32, #tpu.memory_space<vmem>>, vector<16xf32>,
          %mul3A_392 = arith.mulf %gather3A_373, %get3A_391 : vector<16xf32>
          %add3A_393 = arith.addf %add3A_369, %mul3A_392 : vector<16xf32>
          %add3A_394 = arith.constant 11 : i32
          %add3A_395 = arith.addi %add3A_131, %add3A_394 : i32
          %broadcast_in_dim3A_396 = vector.broadcast %add3A_395 : i32 to vector<16xi32>
          %gather3A_397 = tpu.vector_load_idx %arg11[%broadcast_in_dim3A_396] : memref<640xf32, #tpu.memory_space<vmem>>[vector<16xi32>], vector<16xf32>,
          %get3A_398 = arith.index_cast %add3A_395 : i32 to index
          %get3A_399 = arith.constant 0 : index
          %get3A_400 = tpu.vector_load %arg10[%get3A_398, %get3A_399] {strides = array<i32>} : memref<640x64xf32, #tpu.memory_space<vmem>>, vector<16xf32>,
          %mul3A_401 = arith.mulf %gather3A_397, %get3A_400 : vector<16xf32>
          %add3A_402 = arith.addf %add3A_378, %mul3A_401 : vector<16xf32>
          %get3A_403 = arith.index_cast %add3A_395 : i32 to index
          %get3A_404 = arith.constant 16 : index
          %get3A_405 = tpu.vector_load %arg10[%get3A_403, %get3A_404] {strides = array<i32>} : memref<640x64xf32, #tpu.memory_space<vmem>>, vector<16xf32>,
          %mul3A_406 = arith.mulf %gather3A_397, %get3A_405 : vector<16xf32>
          %add3A_407 = arith.addf %add3A_383, %mul3A_406 : vector<16xf32>
          %get3A_408 = arith.index_cast %add3A_395 : i32 to index
          %get3A_409 = arith.constant 32 : index
          %get3A_410 = tpu.vector_load %arg10[%get3A_408, %get3A_409] {strides = array<i32>} : memref<640x64xf32, #tpu.memory_space<vmem>>, vector<16xf32>,
          %mul3A_411 = arith.mulf %gather3A_397, %get3A_410 : vector<16xf32>
          %add3A_412 = arith.addf %add3A_388, %mul3A_411 : vector<16xf32>
          %get3A_413 = arith.index_cast %add3A_395 : i32 to index
          %get3A_414 = arith.constant 48 : index
          %get3A_415 = tpu.vector_load %arg10[%get3A_413, %get3A_414] {strides = array<i32>} : memref<640x64xf32, #tpu.memory_space<vmem>>, vector<16xf32>,
          %mul3A_416 = arith.mulf %gather3A_397, %get3A_415 : vector<16xf32>
          %add3A_417 = arith.addf %add3A_393, %mul3A_416 : vector<16xf32>
          %add3A_418 = arith.constant 12 : i32
          %add3A_419 = arith.addi %add3A_131, %add3A_418 : i32
          %broadcast_in_dim3A_420 = vector.broadcast %add3A_419 : i32 to vector<16xi32>
          %gather3A_421 = tpu.vector_load_idx %arg11[%broadcast_in_dim3A_420] : memref<640xf32, #tpu.memory_space<vmem>>[vector<16xi32>], vector<16xf32>,
          %get3A_422 = arith.index_cast %add3A_419 : i32 to index
          %get3A_423 = arith.constant 0 : index
          %get3A_424 = tpu.vector_load %arg10[%get3A_422, %get3A_423] {strides = array<i32>} : memref<640x64xf32, #tpu.memory_space<vmem>>, vector<16xf32>,
          %mul3A_425 = arith.mulf %gather3A_421, %get3A_424 : vector<16xf32>
          %add3A_426 = arith.addf %add3A_402, %mul3A_425 : vector<16xf32>
          %get3A_427 = arith.index_cast %add3A_419 : i32 to index
          %get3A_428 = arith.constant 16 : index
          %get3A_429 = tpu.vector_load %arg10[%get3A_427, %get3A_428] {strides = array<i32>} : memref<640x64xf32, #tpu.memory_space<vmem>>, vector<16xf32>,
          %mul3A_430 = arith.mulf %gather3A_421, %get3A_429 : vector<16xf32>
          %add3A_431 = arith.addf %add3A_407, %mul3A_430 : vector<16xf32>
          %get3A_432 = arith.index_cast %add3A_419 : i32 to index
          %get3A_433 = arith.constant 32 : index
          %get3A_434 = tpu.vector_load %arg10[%get3A_432, %get3A_433] {strides = array<i32>} : memref<640x64xf32, #tpu.memory_space<vmem>>, vector<16xf32>,
          %mul3A_435 = arith.mulf %gather3A_421, %get3A_434 : vector<16xf32>
          %add3A_436 = arith.addf %add3A_412, %mul3A_435 : vector<16xf32>
          %get3A_437 = arith.index_cast %add3A_419 : i32 to index
          %get3A_438 = arith.constant 48 : index
          %get3A_439 = tpu.vector_load %arg10[%get3A_437, %get3A_438] {strides = array<i32>} : memref<640x64xf32, #tpu.memory_space<vmem>>, vector<16xf32>,
          %mul3A_440 = arith.mulf %gather3A_421, %get3A_439 : vector<16xf32>
          %add3A_441 = arith.addf %add3A_417, %mul3A_440 : vector<16xf32>
          %add3A_442 = arith.constant 13 : i32
          %add3A_443 = arith.addi %add3A_131, %add3A_442 : i32
          %broadcast_in_dim3A_444 = vector.broadcast %add3A_443 : i32 to vector<16xi32>
          %gather3A_445 = tpu.vector_load_idx %arg11[%broadcast_in_dim3A_444] : memref<640xf32, #tpu.memory_space<vmem>>[vector<16xi32>], vector<16xf32>,
          %get3A_446 = arith.index_cast %add3A_443 : i32 to index
          %get3A_447 = arith.constant 0 : index
          %get3A_448 = tpu.vector_load %arg10[%get3A_446, %get3A_447] {strides = array<i32>} : memref<640x64xf32, #tpu.memory_space<vmem>>, vector<16xf32>,
          %mul3A_449 = arith.mulf %gather3A_445, %get3A_448 : vector<16xf32>
          %add3A_450 = arith.addf %add3A_426, %mul3A_449 : vector<16xf32>
          %get3A_451 = arith.index_cast %add3A_443 : i32 to index
          %get3A_452 = arith.constant 16 : index
          %get3A_453 = tpu.vector_load %arg10[%get3A_451, %get3A_452] {strides = array<i32>} : memref<640x64xf32, #tpu.memory_space<vmem>>, vector<16xf32>,
          %mul3A_454 = arith.mulf %gather3A_445, %get3A_453 : vector<16xf32>
          %add3A_455 = arith.addf %add3A_431, %mul3A_454 : vector<16xf32>
          %get3A_456 = arith.index_cast %add3A_443 : i32 to index
          %get3A_457 = arith.constant 32 : index
          %get3A_458 = tpu.vector_load %arg10[%get3A_456, %get3A_457] {strides = array<i32>} : memref<640x64xf32, #tpu.memory_space<vmem>>, vector<16xf32>,
          %mul3A_459 = arith.mulf %gather3A_445, %get3A_458 : vector<16xf32>
          %add3A_460 = arith.addf %add3A_436, %mul3A_459 : vector<16xf32>
          %get3A_461 = arith.index_cast %add3A_443 : i32 to index
          %get3A_462 = arith.constant 48 : index
          %get3A_463 = tpu.vector_load %arg10[%get3A_461, %get3A_462] {strides = array<i32>} : memref<640x64xf32, #tpu.memory_space<vmem>>, vector<16xf32>,
          %mul3A_464 = arith.mulf %gather3A_445, %get3A_463 : vector<16xf32>
          %add3A_465 = arith.addf %add3A_441, %mul3A_464 : vector<16xf32>
          %add3A_466 = arith.constant 14 : i32
          %add3A_467 = arith.addi %add3A_131, %add3A_466 : i32
          %broadcast_in_dim3A_468 = vector.broadcast %add3A_467 : i32 to vector<16xi32>
          %gather3A_469 = tpu.vector_load_idx %arg11[%broadcast_in_dim3A_468] : memref<640xf32, #tpu.memory_space<vmem>>[vector<16xi32>], vector<16xf32>,
          %get3A_470 = arith.index_cast %add3A_467 : i32 to index
          %get3A_471 = arith.constant 0 : index
          %get3A_472 = tpu.vector_load %arg10[%get3A_470, %get3A_471] {strides = array<i32>} : memref<640x64xf32, #tpu.memory_space<vmem>>, vector<16xf32>,
          %mul3A_473 = arith.mulf %gather3A_469, %get3A_472 : vector<16xf32>
          %add3A_474 = arith.addf %add3A_450, %mul3A_473 : vector<16xf32>
          %get3A_475 = arith.index_cast %add3A_467 : i32 to index
          %get3A_476 = arith.constant 16 : index
          %get3A_477 = tpu.vector_load %arg10[%get3A_475, %get3A_476] {strides = array<i32>} : memref<640x64xf32, #tpu.memory_space<vmem>>, vector<16xf32>,
          %mul3A_478 = arith.mulf %gather3A_469, %get3A_477 : vector<16xf32>
          %add3A_479 = arith.addf %add3A_455, %mul3A_478 : vector<16xf32>
          %get3A_480 = arith.index_cast %add3A_467 : i32 to index
          %get3A_481 = arith.constant 32 : index
          %get3A_482 = tpu.vector_load %arg10[%get3A_480, %get3A_481] {strides = array<i32>} : memref<640x64xf32, #tpu.memory_space<vmem>>, vector<16xf32>,
          %mul3A_483 = arith.mulf %gather3A_469, %get3A_482 : vector<16xf32>
          %add3A_484 = arith.addf %add3A_460, %mul3A_483 : vector<16xf32>
          %get3A_485 = arith.index_cast %add3A_467 : i32 to index
          %get3A_486 = arith.constant 48 : index
          %get3A_487 = tpu.vector_load %arg10[%get3A_485, %get3A_486] {strides = array<i32>} : memref<640x64xf32, #tpu.memory_space<vmem>>, vector<16xf32>,
          %mul3A_488 = arith.mulf %gather3A_469, %get3A_487 : vector<16xf32>
          %add3A_489 = arith.addf %add3A_465, %mul3A_488 : vector<16xf32>
          %add3A_490 = arith.constant 15 : i32
          %add3A_491 = arith.addi %add3A_131, %add3A_490 : i32
          %broadcast_in_dim3A_492 = vector.broadcast %add3A_491 : i32 to vector<16xi32>
          %gather3A_493 = tpu.vector_load_idx %arg11[%broadcast_in_dim3A_492] : memref<640xf32, #tpu.memory_space<vmem>>[vector<16xi32>], vector<16xf32>,
          %get3A_494 = arith.index_cast %add3A_491 : i32 to index
          %get3A_495 = arith.constant 0 : index
          %get3A_496 = tpu.vector_load %arg10[%get3A_494, %get3A_495] {strides = array<i32>} : memref<640x64xf32, #tpu.memory_space<vmem>>, vector<16xf32>,
          %mul3A_497 = arith.mulf %gather3A_493, %get3A_496 : vector<16xf32>
          %add3A_498 = arith.addf %add3A_474, %mul3A_497 : vector<16xf32>
          %get3A_499 = arith.index_cast %add3A_491 : i32 to index
          %get3A_500 = arith.constant 16 : index
          %get3A_501 = tpu.vector_load %arg10[%get3A_499, %get3A_500] {strides = array<i32>} : memref<640x64xf32, #tpu.memory_space<vmem>>, vector<16xf32>,
          %mul3A_502 = arith.mulf %gather3A_493, %get3A_501 : vector<16xf32>
          %add3A_503 = arith.addf %add3A_479, %mul3A_502 : vector<16xf32>
          %get3A_504 = arith.index_cast %add3A_491 : i32 to index
          %get3A_505 = arith.constant 32 : index
          %get3A_506 = tpu.vector_load %arg10[%get3A_504, %get3A_505] {strides = array<i32>} : memref<640x64xf32, #tpu.memory_space<vmem>>, vector<16xf32>,
          %mul3A_507 = arith.mulf %gather3A_493, %get3A_506 : vector<16xf32>
          %add3A_508 = arith.addf %add3A_484, %mul3A_507 : vector<16xf32>
          %get3A_509 = arith.index_cast %add3A_491 : i32 to index
          %get3A_510 = arith.constant 48 : index
          %get3A_511 = tpu.vector_load %arg10[%get3A_509, %get3A_510] {strides = array<i32>} : memref<640x64xf32, #tpu.memory_space<vmem>>, vector<16xf32>,
          %mul3A_512 = arith.mulf %gather3A_493, %get3A_511 : vector<16xf32>
          %add3A_513 = arith.addf %add3A_489, %mul3A_512 : vector<16xf32>
          scf.yield %add3A_498, %add3A_503, %add3A_508, %add3A_513 : vector<16xf32>, vector<16xf32>, vector<16xf32>, vector<16xf32>
        }
        %scan3A_109 = arith.constant 16 : i32
        %swap3A = arith.index_cast %scan3A_102 : i32 to index
        %swap3A_110 = arith.constant 0 : index
        %swap3A_111 = tpu.vector_load %arg12[%swap3A, %swap3A_110] {strides = array<i32>} : memref<32x64xf32, #tpu.memory_space<vmem>>, vector<16xf32>,
        tpu.vector_store %arg12[%swap3A, %swap3A_110], %scan3A_108#0 {strides = array<i32>} : memref<32x64xf32, #tpu.memory_space<vmem>>, vector<16xf32>,
        %swap3A_112 = arith.index_cast %scan3A_102 : i32 to index
        %swap3A_113 = arith.constant 16 : index
        %swap3A_114 = tpu.vector_load %arg12[%swap3A_112, %swap3A_113] {strides = array<i32>} : memref<32x64xf32, #tpu.memory_space<vmem>>, vector<16xf32>,
        tpu.vector_store %arg12[%swap3A_112, %swap3A_113], %scan3A_108#1 {strides = array<i32>} : memref<32x64xf32, #tpu.memory_space<vmem>>, vector<16xf32>,
        %swap3A_115 = arith.index_cast %scan3A_102 : i32 to index
        %swap3A_116 = arith.constant 32 : index
        %swap3A_117 = tpu.vector_load %arg12[%swap3A_115, %swap3A_116] {strides = array<i32>} : memref<32x64xf32, #tpu.memory_space<vmem>>, vector<16xf32>,
        tpu.vector_store %arg12[%swap3A_115, %swap3A_116], %scan3A_108#2 {strides = array<i32>} : memref<32x64xf32, #tpu.memory_space<vmem>>, vector<16xf32>,
        %swap3A_118 = arith.index_cast %scan3A_102 : i32 to index
        %swap3A_119 = arith.constant 48 : index
        %swap3A_120 = tpu.vector_load %arg12[%swap3A_118, %swap3A_119] {strides = array<i32>} : memref<32x64xf32, #tpu.memory_space<vmem>>, vector<16xf32>,
        tpu.vector_store %arg12[%swap3A_118, %swap3A_119], %scan3A_108#3 {strides = array<i32>} : memref<32x64xf32, #tpu.memory_space<vmem>>, vector<16xf32>,
        %scan3A_121 = arith.constant 0 : i32
        scf.yield %scan3A_121 : i32
      }
      %scan3A_100 = arith.constant 2 : i32
      "tpu.region"() ({
        %run_scoped3A = tpu.sem_alloc : memref<!tpu.dma_semaphore, #tpu.memory_space<semaphore_mem>>
        %dma_start3A_102 = arith.constant 0 : i32
        %dma_start3A_103 = arith.constant 0 : i32
        %dma_start3A_104 = tpu.memref_slice %arg12[%dma_start3A_102, %dma_start3A_103] : memref<32x64xf32, #tpu.memory_space<vmem>> -> memref<2x64xf32, #tpu.memory_space<vmem>>
        %dma_start3A_105 = arith.constant 0 : i32
        %dma_start3A_106 = tpu.memref_slice %arg7[%add3A_27, %dma_start3A_105] : memref<1024x64xf32, #tpu.memory_space<hbm>> -> memref<2x64xf32, #tpu.memory_space<hbm>>
        %dma_start3A_107 = arith.constant 0 : i32
        %dma_start3A_108 = tpu.memref_slice %arg7[%add3A_27, %dma_start3A_107] : memref<1024x64xf32, #tpu.memory_space<hbm>> -> memref<2x64xf32, #tpu.memory_space<hbm>>
        %dma_start3A_109 = arith.constant 0 : i32
        %dma_start3A_110 = arith.constant 0 : i32
        %dma_start3A_111 = tpu.memref_slice %arg12[%dma_start3A_109, %dma_start3A_110] : memref<32x64xf32, #tpu.memory_space<vmem>> -> memref<2x64xf32, #tpu.memory_space<vmem>>
        tpu.enqueue_dma source(%dma_start3A_111 : memref<2x64xf32, #tpu.memory_space<vmem>>) target(%dma_start3A_108 : memref<2x64xf32, #tpu.memory_space<hbm>>) target_semaphore(%run_scoped3A : memref<!tpu.dma_semaphore, #tpu.memory_space<semaphore_mem>>)
        %dma_wait3A_112 = arith.constant 0 : i32
        %dma_wait3A_113 = arith.constant 0 : i32
        %dma_wait3A_114 = tpu.memref_slice %arg12[%dma_wait3A_112, %dma_wait3A_113] : memref<32x64xf32, #tpu.memory_space<vmem>> -> memref<2x64xf32, #tpu.memory_space<vmem>>
        %dma_wait3A_115 = arith.constant 0 : i32
        %dma_wait3A_116 = tpu.memref_slice %arg7[%add3A_27, %dma_wait3A_115] : memref<1024x64xf32, #tpu.memory_space<hbm>> -> memref<2x64xf32, #tpu.memory_space<hbm>>
        %dma_wait3A_117 = arith.constant 0 : i32
        %dma_wait3A_118 = tpu.memref_slice %arg7[%add3A_27, %dma_wait3A_117] : memref<1024x64xf32, #tpu.memory_space<hbm>> -> memref<2x64xf32, #tpu.memory_space<hbm>>
        %dma_wait3A_119 = arith.constant 0 : i32
        %dma_wait3A_120 = arith.constant 0 : i32
        %dma_wait3A_121 = tpu.memref_slice %arg12[%dma_wait3A_119, %dma_wait3A_120] : memref<32x64xf32, #tpu.memory_space<vmem>> -> memref<2x64xf32, #tpu.memory_space<vmem>>
        tpu.wait_dma2 semaphore(%run_scoped3A : memref<!tpu.dma_semaphore, #tpu.memory_space<semaphore_mem>>) src(%dma_wait3A_121 : memref<2x64xf32, #tpu.memory_space<vmem>>) dst(%dma_wait3A_118 : memref<2x64xf32, #tpu.memory_space<hbm>>)
        tpu.yield
      }) : () -> ()
      %scan3A_101 = arith.constant 0 : i32
      scf.yield %scan3A_101 : i32
    }
    %scan3A_13 = arith.constant 16 : i32
    %scan3A_14 = arith.constant 0 : i32
    %scan3A_15 = arith.constant 0 : i32
    %scan3A_16 = arith.constant 98 : i32
    %scan3A_17 = arith.addi %scan3A_15, %scan3A_16 : i32
    %scan3A_18 = arith.constant 1 : i32
    %scan3A_19 = scf.for %scan3A_21 = %scan3A_15 to %scan3A_17 step %scan3A_18 iter_args(%scan3A_22 = %scan3A_14) -> (i32)  : i32 {
      %mul3A_23 = arith.constant 3136 : i32
      %mul3A_24 = arith.muli %add3A, %mul3A_23 : i32
      %mul3A_25 = arith.constant 32 : i32
      %mul3A_26 = arith.muli %scan3A_21, %mul3A_25 : i32
      %add3A_27 = arith.addi %mul3A_24, %mul3A_26 : i32
      %mul3A_28 = arith.constant 20 : i32
      %mul3A_29 = arith.muli %add3A_27, %mul3A_28 : i32
      "tpu.region"() ({
        %run_scoped3A = tpu.sem_alloc : memref<!tpu.dma_semaphore, #tpu.memory_space<semaphore_mem>>
        %dma_start3A_118 = arith.constant 0 : i32
        %dma_start3A_119 = tpu.memref_slice %arg9[%dma_start3A_118] : memref<640xi32, #tpu.memory_space<vmem>> -> memref<640xi32, #tpu.memory_space<vmem>>
        %dma_start3A_120 = tpu.memref_slice %arg3[%mul3A_29] : memref<2007040xi32, #tpu.memory_space<hbm>> -> memref<640xi32, #tpu.memory_space<hbm>>
        %dma_start3A_121 = arith.constant 0 : i32
        %dma_start3A_122 = tpu.memref_slice %arg9[%dma_start3A_121] : memref<640xi32, #tpu.memory_space<vmem>> -> memref<640xi32, #tpu.memory_space<vmem>>
        %dma_start3A_123 = tpu.memref_slice %arg3[%mul3A_29] : memref<2007040xi32, #tpu.memory_space<hbm>> -> memref<640xi32, #tpu.memory_space<hbm>>
        tpu.enqueue_dma source(%dma_start3A_123 : memref<640xi32, #tpu.memory_space<hbm>>) target(%dma_start3A_122 : memref<640xi32, #tpu.memory_space<vmem>>) target_semaphore(%run_scoped3A : memref<!tpu.dma_semaphore, #tpu.memory_space<semaphore_mem>>)
        %dma_wait3A_124 = arith.constant 0 : i32
        %dma_wait3A_125 = tpu.memref_slice %arg9[%dma_wait3A_124] : memref<640xi32, #tpu.memory_space<vmem>> -> memref<640xi32, #tpu.memory_space<vmem>>
        %dma_wait3A_126 = tpu.memref_slice %arg3[%mul3A_29] : memref<2007040xi32, #tpu.memory_space<hbm>> -> memref<640xi32, #tpu.memory_space<hbm>>
        %dma_wait3A_127 = arith.constant 0 : i32
        %dma_wait3A_128 = tpu.memref_slice %arg9[%dma_wait3A_127] : memref<640xi32, #tpu.memory_space<vmem>> -> memref<640xi32, #tpu.memory_space<vmem>>
        %dma_wait3A_129 = tpu.memref_slice %arg3[%mul3A_29] : memref<2007040xi32, #tpu.memory_space<hbm>> -> memref<640xi32, #tpu.memory_space<hbm>>
        tpu.wait_dma2 semaphore(%run_scoped3A : memref<!tpu.dma_semaphore, #tpu.memory_space<semaphore_mem>>) src(%dma_wait3A_129 : memref<640xi32, #tpu.memory_space<hbm>>) dst(%dma_wait3A_128 : memref<640xi32, #tpu.memory_space<vmem>>)
        tpu.yield
      }) : () -> ()
      %dma_start3A = arith.constant 0 : i32
      %dma_start3A_30 = arith.constant 0 : i32
      %dma_start3A_31 = tpu.memref_slice %arg10[%dma_start3A, %dma_start3A_30] : memref<640x64xf32, #tpu.memory_space<vmem>> -> memref<128x64xf32, #tpu.memory_space<vmem>>
      %dma_start3A_32 = arith.constant 0 : i32
      %dma_start3A_33 = tpu.memref_slice %arg9[%dma_start3A_32] : memref<640xi32, #tpu.memory_space<vmem>> -> memref<128xi32, #tpu.memory_space<vmem>>
      %dma_start3A_34 = arith.constant 0 : i32
      %dma_start3A_35 = arith.constant 0 : i32
      %dma_start3A_36 = tpu.memref_slice %arg2[%dma_start3A_34, %dma_start3A_35] : memref<1000001x64xf32, #tpu.memory_space<hbm>> -> memref<1000001x64xf32, #tpu.memory_space<hbm>>
      tpu.enqueue_indirect_dma source(%dma_start3A_36 : memref<1000001x64xf32, #tpu.memory_space<hbm>>) target(%dma_start3A_31 : memref<128x64xf32, #tpu.memory_space<vmem>>) offsets(%dma_start3A_33 : memref<128xi32, #tpu.memory_space<vmem>>) semaphore(%arg13 : memref<!tpu.dma_semaphore, #tpu.memory_space<semaphore_mem>>)
      %dma_start3A_37 = arith.constant 128 : i32
      %dma_start3A_38 = arith.constant 0 : i32
      %dma_start3A_39 = tpu.memref_slice %arg10[%dma_start3A_37, %dma_start3A_38] : memref<640x64xf32, #tpu.memory_space<vmem>> -> memref<128x64xf32, #tpu.memory_space<vmem>>
      %dma_start3A_40 = arith.constant 128 : i32
      %dma_start3A_41 = tpu.memref_slice %arg9[%dma_start3A_40] : memref<640xi32, #tpu.memory_space<vmem>> -> memref<128xi32, #tpu.memory_space<vmem>>
      %dma_start3A_42 = arith.constant 0 : i32
      %dma_start3A_43 = arith.constant 0 : i32
      %dma_start3A_44 = tpu.memref_slice %arg2[%dma_start3A_42, %dma_start3A_43] : memref<1000001x64xf32, #tpu.memory_space<hbm>> -> memref<1000001x64xf32, #tpu.memory_space<hbm>>
      tpu.enqueue_indirect_dma source(%dma_start3A_44 : memref<1000001x64xf32, #tpu.memory_space<hbm>>) target(%dma_start3A_39 : memref<128x64xf32, #tpu.memory_space<vmem>>) offsets(%dma_start3A_41 : memref<128xi32, #tpu.memory_space<vmem>>) semaphore(%arg13 : memref<!tpu.dma_semaphore, #tpu.memory_space<semaphore_mem>>)
      %dma_start3A_45 = arith.constant 256 : i32
      %dma_start3A_46 = arith.constant 0 : i32
      %dma_start3A_47 = tpu.memref_slice %arg10[%dma_start3A_45, %dma_start3A_46] : memref<640x64xf32, #tpu.memory_space<vmem>> -> memref<128x64xf32, #tpu.memory_space<vmem>>
      %dma_start3A_48 = arith.constant 256 : i32
      %dma_start3A_49 = tpu.memref_slice %arg9[%dma_start3A_48] : memref<640xi32, #tpu.memory_space<vmem>> -> memref<128xi32, #tpu.memory_space<vmem>>
      %dma_start3A_50 = arith.constant 0 : i32
      %dma_start3A_51 = arith.constant 0 : i32
      %dma_start3A_52 = tpu.memref_slice %arg2[%dma_start3A_50, %dma_start3A_51] : memref<1000001x64xf32, #tpu.memory_space<hbm>> -> memref<1000001x64xf32, #tpu.memory_space<hbm>>
      tpu.enqueue_indirect_dma source(%dma_start3A_52 : memref<1000001x64xf32, #tpu.memory_space<hbm>>) target(%dma_start3A_47 : memref<128x64xf32, #tpu.memory_space<vmem>>) offsets(%dma_start3A_49 : memref<128xi32, #tpu.memory_space<vmem>>) semaphore(%arg13 : memref<!tpu.dma_semaphore, #tpu.memory_space<semaphore_mem>>)
      %dma_start3A_53 = arith.constant 384 : i32
      %dma_start3A_54 = arith.constant 0 : i32
      %dma_start3A_55 = tpu.memref_slice %arg10[%dma_start3A_53, %dma_start3A_54] : memref<640x64xf32, #tpu.memory_space<vmem>> -> memref<128x64xf32, #tpu.memory_space<vmem>>
      %dma_start3A_56 = arith.constant 384 : i32
      %dma_start3A_57 = tpu.memref_slice %arg9[%dma_start3A_56] : memref<640xi32, #tpu.memory_space<vmem>> -> memref<128xi32, #tpu.memory_space<vmem>>
      %dma_start3A_58 = arith.constant 0 : i32
      %dma_start3A_59 = arith.constant 0 : i32
      %dma_start3A_60 = tpu.memref_slice %arg2[%dma_start3A_58, %dma_start3A_59] : memref<1000001x64xf32, #tpu.memory_space<hbm>> -> memref<1000001x64xf32, #tpu.memory_space<hbm>>
      tpu.enqueue_indirect_dma source(%dma_start3A_60 : memref<1000001x64xf32, #tpu.memory_space<hbm>>) target(%dma_start3A_55 : memref<128x64xf32, #tpu.memory_space<vmem>>) offsets(%dma_start3A_57 : memref<128xi32, #tpu.memory_space<vmem>>) semaphore(%arg13 : memref<!tpu.dma_semaphore, #tpu.memory_space<semaphore_mem>>)
      %dma_start3A_61 = arith.constant 512 : i32
      %dma_start3A_62 = arith.constant 0 : i32
      %dma_start3A_63 = tpu.memref_slice %arg10[%dma_start3A_61, %dma_start3A_62] : memref<640x64xf32, #tpu.memory_space<vmem>> -> memref<128x64xf32, #tpu.memory_space<vmem>>
      %dma_start3A_64 = arith.constant 512 : i32
      %dma_start3A_65 = tpu.memref_slice %arg9[%dma_start3A_64] : memref<640xi32, #tpu.memory_space<vmem>> -> memref<128xi32, #tpu.memory_space<vmem>>
      %dma_start3A_66 = arith.constant 0 : i32
      %dma_start3A_67 = arith.constant 0 : i32
      %dma_start3A_68 = tpu.memref_slice %arg2[%dma_start3A_66, %dma_start3A_67] : memref<1000001x64xf32, #tpu.memory_space<hbm>> -> memref<1000001x64xf32, #tpu.memory_space<hbm>>
      tpu.enqueue_indirect_dma source(%dma_start3A_68 : memref<1000001x64xf32, #tpu.memory_space<hbm>>) target(%dma_start3A_63 : memref<128x64xf32, #tpu.memory_space<vmem>>) offsets(%dma_start3A_65 : memref<128xi32, #tpu.memory_space<vmem>>) semaphore(%arg13 : memref<!tpu.dma_semaphore, #tpu.memory_space<semaphore_mem>>)
      %mul3A_69 = arith.constant 20 : i32
      %mul3A_70 = arith.muli %add3A_27, %mul3A_69 : i32
      "tpu.region"() ({
        %run_scoped3A = tpu.sem_alloc : memref<!tpu.dma_semaphore, #tpu.memory_space<semaphore_mem>>
        %dma_start3A_118 = arith.constant 0 : i32
        %dma_start3A_119 = tpu.memref_slice %arg11[%dma_start3A_118] : memref<640xf32, #tpu.memory_space<vmem>> -> memref<640xf32, #tpu.memory_space<vmem>>
        %dma_start3A_120 = tpu.memref_slice %arg4[%mul3A_70] : memref<2007040xf32, #tpu.memory_space<hbm>> -> memref<640xf32, #tpu.memory_space<hbm>>
        %dma_start3A_121 = arith.constant 0 : i32
        %dma_start3A_122 = tpu.memref_slice %arg11[%dma_start3A_121] : memref<640xf32, #tpu.memory_space<vmem>> -> memref<640xf32, #tpu.memory_space<vmem>>
        %dma_start3A_123 = tpu.memref_slice %arg4[%mul3A_70] : memref<2007040xf32, #tpu.memory_space<hbm>> -> memref<640xf32, #tpu.memory_space<hbm>>
        tpu.enqueue_dma source(%dma_start3A_123 : memref<640xf32, #tpu.memory_space<hbm>>) target(%dma_start3A_122 : memref<640xf32, #tpu.memory_space<vmem>>) target_semaphore(%run_scoped3A : memref<!tpu.dma_semaphore, #tpu.memory_space<semaphore_mem>>)
        %dma_wait3A_124 = arith.constant 0 : i32
        %dma_wait3A_125 = tpu.memref_slice %arg11[%dma_wait3A_124] : memref<640xf32, #tpu.memory_space<vmem>> -> memref<640xf32, #tpu.memory_space<vmem>>
        %dma_wait3A_126 = tpu.memref_slice %arg4[%mul3A_70] : memref<2007040xf32, #tpu.memory_space<hbm>> -> memref<640xf32, #tpu.memory_space<hbm>>
        %dma_wait3A_127 = arith.constant 0 : i32
        %dma_wait3A_128 = tpu.memref_slice %arg11[%dma_wait3A_127] : memref<640xf32, #tpu.memory_space<vmem>> -> memref<640xf32, #tpu.memory_space<vmem>>
        %dma_wait3A_129 = tpu.memref_slice %arg4[%mul3A_70] : memref<2007040xf32, #tpu.memory_space<hbm>> -> memref<640xf32, #tpu.memory_space<hbm>>
        tpu.wait_dma2 semaphore(%run_scoped3A : memref<!tpu.dma_semaphore, #tpu.memory_space<semaphore_mem>>) src(%dma_wait3A_129 : memref<640xf32, #tpu.memory_space<hbm>>) dst(%dma_wait3A_128 : memref<640xf32, #tpu.memory_space<vmem>>)
        tpu.yield
      }) : () -> ()
      %dma_wait3A = arith.constant 0 : i32
      %dma_wait3A_71 = arith.constant 0 : i32
      %dma_wait3A_72 = tpu.memref_slice %arg10[%dma_wait3A, %dma_wait3A_71] : memref<640x64xf32, #tpu.memory_space<vmem>> -> memref<128x64xf32, #tpu.memory_space<vmem>>
      %dma_wait3A_73 = arith.constant 0 : i32
      %dma_wait3A_74 = tpu.memref_slice %arg9[%dma_wait3A_73] : memref<640xi32, #tpu.memory_space<vmem>> -> memref<128xi32, #tpu.memory_space<vmem>>
      %dma_wait3A_75 = arith.constant 0 : i32
      %dma_wait3A_76 = arith.constant 0 : i32
      %dma_wait3A_77 = tpu.memref_slice %arg2[%dma_wait3A_75, %dma_wait3A_76] : memref<1000001x64xf32, #tpu.memory_space<hbm>> -> memref<1000001x64xf32, #tpu.memory_space<hbm>>
      tpu.wait_indirect_dma semaphore(%arg13 : memref<!tpu.dma_semaphore, #tpu.memory_space<semaphore_mem>>) src(%dma_wait3A_77 : memref<1000001x64xf32, #tpu.memory_space<hbm>>) dst(%dma_wait3A_72 : memref<128x64xf32, #tpu.memory_space<vmem>>)
      %dma_wait3A_78 = arith.constant 128 : i32
      %dma_wait3A_79 = arith.constant 0 : i32
      %dma_wait3A_80 = tpu.memref_slice %arg10[%dma_wait3A_78, %dma_wait3A_79] : memref<640x64xf32, #tpu.memory_space<vmem>> -> memref<128x64xf32, #tpu.memory_space<vmem>>
      %dma_wait3A_81 = arith.constant 128 : i32
      %dma_wait3A_82 = tpu.memref_slice %arg9[%dma_wait3A_81] : memref<640xi32, #tpu.memory_space<vmem>> -> memref<128xi32, #tpu.memory_space<vmem>>
      %dma_wait3A_83 = arith.constant 0 : i32
      %dma_wait3A_84 = arith.constant 0 : i32
      %dma_wait3A_85 = tpu.memref_slice %arg2[%dma_wait3A_83, %dma_wait3A_84] : memref<1000001x64xf32, #tpu.memory_space<hbm>> -> memref<1000001x64xf32, #tpu.memory_space<hbm>>
      tpu.wait_indirect_dma semaphore(%arg13 : memref<!tpu.dma_semaphore, #tpu.memory_space<semaphore_mem>>) src(%dma_wait3A_85 : memref<1000001x64xf32, #tpu.memory_space<hbm>>) dst(%dma_wait3A_80 : memref<128x64xf32, #tpu.memory_space<vmem>>)
      %dma_wait3A_86 = arith.constant 256 : i32
      %dma_wait3A_87 = arith.constant 0 : i32
      %dma_wait3A_88 = tpu.memref_slice %arg10[%dma_wait3A_86, %dma_wait3A_87] : memref<640x64xf32, #tpu.memory_space<vmem>> -> memref<128x64xf32, #tpu.memory_space<vmem>>
      %dma_wait3A_89 = arith.constant 256 : i32
      %dma_wait3A_90 = tpu.memref_slice %arg9[%dma_wait3A_89] : memref<640xi32, #tpu.memory_space<vmem>> -> memref<128xi32, #tpu.memory_space<vmem>>
      %dma_wait3A_91 = arith.constant 0 : i32
      %dma_wait3A_92 = arith.constant 0 : i32
      %dma_wait3A_93 = tpu.memref_slice %arg2[%dma_wait3A_91, %dma_wait3A_92] : memref<1000001x64xf32, #tpu.memory_space<hbm>> -> memref<1000001x64xf32, #tpu.memory_space<hbm>>
      tpu.wait_indirect_dma semaphore(%arg13 : memref<!tpu.dma_semaphore, #tpu.memory_space<semaphore_mem>>) src(%dma_wait3A_93 : memref<1000001x64xf32, #tpu.memory_space<hbm>>) dst(%dma_wait3A_88 : memref<128x64xf32, #tpu.memory_space<vmem>>)
      %dma_wait3A_94 = arith.constant 384 : i32
      %dma_wait3A_95 = arith.constant 0 : i32
      %dma_wait3A_96 = tpu.memref_slice %arg10[%dma_wait3A_94, %dma_wait3A_95] : memref<640x64xf32, #tpu.memory_space<vmem>> -> memref<128x64xf32, #tpu.memory_space<vmem>>
      %dma_wait3A_97 = arith.constant 384 : i32
      %dma_wait3A_98 = tpu.memref_slice %arg9[%dma_wait3A_97] : memref<640xi32, #tpu.memory_space<vmem>> -> memref<128xi32, #tpu.memory_space<vmem>>
      %dma_wait3A_99 = arith.constant 0 : i32
      %dma_wait3A_100 = arith.constant 0 : i32
      %dma_wait3A_101 = tpu.memref_slice %arg2[%dma_wait3A_99, %dma_wait3A_100] : memref<1000001x64xf32, #tpu.memory_space<hbm>> -> memref<1000001x64xf32, #tpu.memory_space<hbm>>
      tpu.wait_indirect_dma semaphore(%arg13 : memref<!tpu.dma_semaphore, #tpu.memory_space<semaphore_mem>>) src(%dma_wait3A_101 : memref<1000001x64xf32, #tpu.memory_space<hbm>>) dst(%dma_wait3A_96 : memref<128x64xf32, #tpu.memory_space<vmem>>)
      %dma_wait3A_102 = arith.constant 512 : i32
      %dma_wait3A_103 = arith.constant 0 : i32
      %dma_wait3A_104 = tpu.memref_slice %arg10[%dma_wait3A_102, %dma_wait3A_103] : memref<640x64xf32, #tpu.memory_space<vmem>> -> memref<128x64xf32, #tpu.memory_space<vmem>>
      %dma_wait3A_105 = arith.constant 512 : i32
      %dma_wait3A_106 = tpu.memref_slice %arg9[%dma_wait3A_105] : memref<640xi32, #tpu.memory_space<vmem>> -> memref<128xi32, #tpu.memory_space<vmem>>
      %dma_wait3A_107 = arith.constant 0 : i32
      %dma_wait3A_108 = arith.constant 0 : i32
      %dma_wait3A_109 = tpu.memref_slice %arg2[%dma_wait3A_107, %dma_wait3A_108] : memref<1000001x64xf32, #tpu.memory_space<hbm>> -> memref<1000001x64xf32, #tpu.memory_space<hbm>>
      tpu.wait_indirect_dma semaphore(%arg13 : memref<!tpu.dma_semaphore, #tpu.memory_space<semaphore_mem>>) src(%dma_wait3A_109 : memref<1000001x64xf32, #tpu.memory_space<hbm>>) dst(%dma_wait3A_104 : memref<128x64xf32, #tpu.memory_space<vmem>>)
      %scan3A_110 = arith.constant 0 : i32
      %scan3A_111 = arith.constant 0 : i32
      %scan3A_112 = arith.constant 32 : i32
      %scan3A_113 = arith.addi %scan3A_111, %scan3A_112 : i32
      %scan3A_114 = arith.constant 1 : i32
      %scan3A_115 = scf.for %scan3A_118 = %scan3A_111 to %scan3A_113 step %scan3A_114 iter_args(%scan3A_119 = %scan3A_110) -> (i32)  : i32 {
        %mul3A_120 = arith.constant 20 : i32
        %mul3A_121 = arith.muli %scan3A_118, %mul3A_120 : i32
        %add3A_122 = arith.constant 0 : i32
        %add3A_123 = arith.addi %mul3A_121, %add3A_122 : i32
        %broadcast_in_dim3A_124 = vector.broadcast %add3A_123 : i32 to vector<16xi32>
        %gather3A = tpu.vector_load_idx %arg11[%broadcast_in_dim3A_124] : memref<640xf32, #tpu.memory_space<vmem>>[vector<16xi32>], vector<16xf32>,
        %get3A = arith.index_cast %add3A_123 : i32 to index
        %get3A_125 = arith.constant 0 : index
        %get3A_126 = tpu.vector_load %arg10[%get3A, %get3A_125] {strides = array<i32>} : memref<640x64xf32, #tpu.memory_space<vmem>>, vector<16xf32>,
        %mul3A_127 = arith.mulf %gather3A, %get3A_126 : vector<16xf32>
        %add3A_128 = arith.addf %broadcast_in_dim3A_1, %mul3A_127 : vector<16xf32>
        %get3A_129 = arith.index_cast %add3A_123 : i32 to index
        %get3A_130 = arith.constant 16 : index
        %get3A_131 = tpu.vector_load %arg10[%get3A_129, %get3A_130] {strides = array<i32>} : memref<640x64xf32, #tpu.memory_space<vmem>>, vector<16xf32>,
        %mul3A_132 = arith.mulf %gather3A, %get3A_131 : vector<16xf32>
        %add3A_133 = arith.addf %broadcast_in_dim3A_3, %mul3A_132 : vector<16xf32>
        %get3A_134 = arith.index_cast %add3A_123 : i32 to index
        %get3A_135 = arith.constant 32 : index
        %get3A_136 = tpu.vector_load %arg10[%get3A_134, %get3A_135] {strides = array<i32>} : memref<640x64xf32, #tpu.memory_space<vmem>>, vector<16xf32>,
        %mul3A_137 = arith.mulf %gather3A, %get3A_136 : vector<16xf32>
        %add3A_138 = arith.addf %broadcast_in_dim3A_5, %mul3A_137 : vector<16xf32>
        %get3A_139 = arith.index_cast %add3A_123 : i32 to index
        %get3A_140 = arith.constant 48 : index
        %get3A_141 = tpu.vector_load %arg10[%get3A_139, %get3A_140] {strides = array<i32>} : memref<640x64xf32, #tpu.memory_space<vmem>>, vector<16xf32>,
        %mul3A_142 = arith.mulf %gather3A, %get3A_141 : vector<16xf32>
        %add3A_143 = arith.addf %broadcast_in_dim3A_7, %mul3A_142 : vector<16xf32>
        %add3A_144 = arith.constant 1 : i32
        %add3A_145 = arith.addi %mul3A_121, %add3A_144 : i32
        %broadcast_in_dim3A_146 = vector.broadcast %add3A_145 : i32 to vector<16xi32>
        %gather3A_147 = tpu.vector_load_idx %arg11[%broadcast_in_dim3A_146] : memref<640xf32, #tpu.memory_space<vmem>>[vector<16xi32>], vector<16xf32>,
        %get3A_148 = arith.index_cast %add3A_145 : i32 to index
        %get3A_149 = arith.constant 0 : index
        %get3A_150 = tpu.vector_load %arg10[%get3A_148, %get3A_149] {strides = array<i32>} : memref<640x64xf32, #tpu.memory_space<vmem>>, vector<16xf32>,
        %mul3A_151 = arith.mulf %gather3A_147, %get3A_150 : vector<16xf32>
        %add3A_152 = arith.addf %add3A_128, %mul3A_151 : vector<16xf32>
        %get3A_153 = arith.index_cast %add3A_145 : i32 to index
        %get3A_154 = arith.constant 16 : index
        %get3A_155 = tpu.vector_load %arg10[%get3A_153, %get3A_154] {strides = array<i32>} : memref<640x64xf32, #tpu.memory_space<vmem>>, vector<16xf32>,
        %mul3A_156 = arith.mulf %gather3A_147, %get3A_155 : vector<16xf32>
        %add3A_157 = arith.addf %add3A_133, %mul3A_156 : vector<16xf32>
        %get3A_158 = arith.index_cast %add3A_145 : i32 to index
        %get3A_159 = arith.constant 32 : index
        %get3A_160 = tpu.vector_load %arg10[%get3A_158, %get3A_159] {strides = array<i32>} : memref<640x64xf32, #tpu.memory_space<vmem>>, vector<16xf32>,
        %mul3A_161 = arith.mulf %gather3A_147, %get3A_160 : vector<16xf32>
        %add3A_162 = arith.addf %add3A_138, %mul3A_161 : vector<16xf32>
        %get3A_163 = arith.index_cast %add3A_145 : i32 to index
        %get3A_164 = arith.constant 48 : index
        %get3A_165 = tpu.vector_load %arg10[%get3A_163, %get3A_164] {strides = array<i32>} : memref<640x64xf32, #tpu.memory_space<vmem>>, vector<16xf32>,
        %mul3A_166 = arith.mulf %gather3A_147, %get3A_165 : vector<16xf32>
        %add3A_167 = arith.addf %add3A_143, %mul3A_166 : vector<16xf32>
        %add3A_168 = arith.constant 2 : i32
        %add3A_169 = arith.addi %mul3A_121, %add3A_168 : i32
        %broadcast_in_dim3A_170 = vector.broadcast %add3A_169 : i32 to vector<16xi32>
        %gather3A_171 = tpu.vector_load_idx %arg11[%broadcast_in_dim3A_170] : memref<640xf32, #tpu.memory_space<vmem>>[vector<16xi32>], vector<16xf32>,
        %get3A_172 = arith.index_cast %add3A_169 : i32 to index
        %get3A_173 = arith.constant 0 : index
        %get3A_174 = tpu.vector_load %arg10[%get3A_172, %get3A_173] {strides = array<i32>} : memref<640x64xf32, #tpu.memory_space<vmem>>, vector<16xf32>,
        %mul3A_175 = arith.mulf %gather3A_171, %get3A_174 : vector<16xf32>
        %add3A_176 = arith.addf %add3A_152, %mul3A_175 : vector<16xf32>
        %get3A_177 = arith.index_cast %add3A_169 : i32 to index
        %get3A_178 = arith.constant 16 : index
        %get3A_179 = tpu.vector_load %arg10[%get3A_177, %get3A_178] {strides = array<i32>} : memref<640x64xf32, #tpu.memory_space<vmem>>, vector<16xf32>,
        %mul3A_180 = arith.mulf %gather3A_171, %get3A_179 : vector<16xf32>
        %add3A_181 = arith.addf %add3A_157, %mul3A_180 : vector<16xf32>
        %get3A_182 = arith.index_cast %add3A_169 : i32 to index
        %get3A_183 = arith.constant 32 : index
        %get3A_184 = tpu.vector_load %arg10[%get3A_182, %get3A_183] {strides = array<i32>} : memref<640x64xf32, #tpu.memory_space<vmem>>, vector<16xf32>,
        %mul3A_185 = arith.mulf %gather3A_171, %get3A_184 : vector<16xf32>
        %add3A_186 = arith.addf %add3A_162, %mul3A_185 : vector<16xf32>
        %get3A_187 = arith.index_cast %add3A_169 : i32 to index
        %get3A_188 = arith.constant 48 : index
        %get3A_189 = tpu.vector_load %arg10[%get3A_187, %get3A_188] {strides = array<i32>} : memref<640x64xf32, #tpu.memory_space<vmem>>, vector<16xf32>,
        %mul3A_190 = arith.mulf %gather3A_171, %get3A_189 : vector<16xf32>
        %add3A_191 = arith.addf %add3A_167, %mul3A_190 : vector<16xf32>
        %add3A_192 = arith.constant 3 : i32
        %add3A_193 = arith.addi %mul3A_121, %add3A_192 : i32
        %broadcast_in_dim3A_194 = vector.broadcast %add3A_193 : i32 to vector<16xi32>
        %gather3A_195 = tpu.vector_load_idx %arg11[%broadcast_in_dim3A_194] : memref<640xf32, #tpu.memory_space<vmem>>[vector<16xi32>], vector<16xf32>,
        %get3A_196 = arith.index_cast %add3A_193 : i32 to index
        %get3A_197 = arith.constant 0 : index
        %get3A_198 = tpu.vector_load %arg10[%get3A_196, %get3A_197] {strides = array<i32>} : memref<640x64xf32, #tpu.memory_space<vmem>>, vector<16xf32>,
        %mul3A_199 = arith.mulf %gather3A_195, %get3A_198 : vector<16xf32>
        %add3A_200 = arith.addf %add3A_176, %mul3A_199 : vector<16xf32>
        %get3A_201 = arith.index_cast %add3A_193 : i32 to index
        %get3A_202 = arith.constant 16 : index
        %get3A_203 = tpu.vector_load %arg10[%get3A_201, %get3A_202] {strides = array<i32>} : memref<640x64xf32, #tpu.memory_space<vmem>>, vector<16xf32>,
        %mul3A_204 = arith.mulf %gather3A_195, %get3A_203 : vector<16xf32>
        %add3A_205 = arith.addf %add3A_181, %mul3A_204 : vector<16xf32>
        %get3A_206 = arith.index_cast %add3A_193 : i32 to index
        %get3A_207 = arith.constant 32 : index
        %get3A_208 = tpu.vector_load %arg10[%get3A_206, %get3A_207] {strides = array<i32>} : memref<640x64xf32, #tpu.memory_space<vmem>>, vector<16xf32>,
        %mul3A_209 = arith.mulf %gather3A_195, %get3A_208 : vector<16xf32>
        %add3A_210 = arith.addf %add3A_186, %mul3A_209 : vector<16xf32>
        %get3A_211 = arith.index_cast %add3A_193 : i32 to index
        %get3A_212 = arith.constant 48 : index
        %get3A_213 = tpu.vector_load %arg10[%get3A_211, %get3A_212] {strides = array<i32>} : memref<640x64xf32, #tpu.memory_space<vmem>>, vector<16xf32>,
        %mul3A_214 = arith.mulf %gather3A_195, %get3A_213 : vector<16xf32>
        %add3A_215 = arith.addf %add3A_191, %mul3A_214 : vector<16xf32>
        %add3A_216 = arith.constant 4 : i32
        %add3A_217 = arith.addi %mul3A_121, %add3A_216 : i32
        %broadcast_in_dim3A_218 = vector.broadcast %add3A_217 : i32 to vector<16xi32>
        %gather3A_219 = tpu.vector_load_idx %arg11[%broadcast_in_dim3A_218] : memref<640xf32, #tpu.memory_space<vmem>>[vector<16xi32>], vector<16xf32>,
        %get3A_220 = arith.index_cast %add3A_217 : i32 to index
        %get3A_221 = arith.constant 0 : index
        %get3A_222 = tpu.vector_load %arg10[%get3A_220, %get3A_221] {strides = array<i32>} : memref<640x64xf32, #tpu.memory_space<vmem>>, vector<16xf32>,
        %mul3A_223 = arith.mulf %gather3A_219, %get3A_222 : vector<16xf32>
        %add3A_224 = arith.addf %add3A_200, %mul3A_223 : vector<16xf32>
        %get3A_225 = arith.index_cast %add3A_217 : i32 to index
        %get3A_226 = arith.constant 16 : index
        %get3A_227 = tpu.vector_load %arg10[%get3A_225, %get3A_226] {strides = array<i32>} : memref<640x64xf32, #tpu.memory_space<vmem>>, vector<16xf32>,
        %mul3A_228 = arith.mulf %gather3A_219, %get3A_227 : vector<16xf32>
        %add3A_229 = arith.addf %add3A_205, %mul3A_228 : vector<16xf32>
        %get3A_230 = arith.index_cast %add3A_217 : i32 to index
        %get3A_231 = arith.constant 32 : index
        %get3A_232 = tpu.vector_load %arg10[%get3A_230, %get3A_231] {strides = array<i32>} : memref<640x64xf32, #tpu.memory_space<vmem>>, vector<16xf32>,
        %mul3A_233 = arith.mulf %gather3A_219, %get3A_232 : vector<16xf32>
        %add3A_234 = arith.addf %add3A_210, %mul3A_233 : vector<16xf32>
        %get3A_235 = arith.index_cast %add3A_217 : i32 to index
        %get3A_236 = arith.constant 48 : index
        %get3A_237 = tpu.vector_load %arg10[%get3A_235, %get3A_236] {strides = array<i32>} : memref<640x64xf32, #tpu.memory_space<vmem>>, vector<16xf32>,
        %mul3A_238 = arith.mulf %gather3A_219, %get3A_237 : vector<16xf32>
        %add3A_239 = arith.addf %add3A_215, %mul3A_238 : vector<16xf32>
        %add3A_240 = arith.constant 5 : i32
        %add3A_241 = arith.addi %mul3A_121, %add3A_240 : i32
        %broadcast_in_dim3A_242 = vector.broadcast %add3A_241 : i32 to vector<16xi32>
        %gather3A_243 = tpu.vector_load_idx %arg11[%broadcast_in_dim3A_242] : memref<640xf32, #tpu.memory_space<vmem>>[vector<16xi32>], vector<16xf32>,
        %get3A_244 = arith.index_cast %add3A_241 : i32 to index
        %get3A_245 = arith.constant 0 : index
        %get3A_246 = tpu.vector_load %arg10[%get3A_244, %get3A_245] {strides = array<i32>} : memref<640x64xf32, #tpu.memory_space<vmem>>, vector<16xf32>,
        %mul3A_247 = arith.mulf %gather3A_243, %get3A_246 : vector<16xf32>
        %add3A_248 = arith.addf %add3A_224, %mul3A_247 : vector<16xf32>
        %get3A_249 = arith.index_cast %add3A_241 : i32 to index
        %get3A_250 = arith.constant 16 : index
        %get3A_251 = tpu.vector_load %arg10[%get3A_249, %get3A_250] {strides = array<i32>} : memref<640x64xf32, #tpu.memory_space<vmem>>, vector<16xf32>,
        %mul3A_252 = arith.mulf %gather3A_243, %get3A_251 : vector<16xf32>
        %add3A_253 = arith.addf %add3A_229, %mul3A_252 : vector<16xf32>
        %get3A_254 = arith.index_cast %add3A_241 : i32 to index
        %get3A_255 = arith.constant 32 : index
        %get3A_256 = tpu.vector_load %arg10[%get3A_254, %get3A_255] {strides = array<i32>} : memref<640x64xf32, #tpu.memory_space<vmem>>, vector<16xf32>,
        %mul3A_257 = arith.mulf %gather3A_243, %get3A_256 : vector<16xf32>
        %add3A_258 = arith.addf %add3A_234, %mul3A_257 : vector<16xf32>
        %get3A_259 = arith.index_cast %add3A_241 : i32 to index
        %get3A_260 = arith.constant 48 : index
        %get3A_261 = tpu.vector_load %arg10[%get3A_259, %get3A_260] {strides = array<i32>} : memref<640x64xf32, #tpu.memory_space<vmem>>, vector<16xf32>,
        %mul3A_262 = arith.mulf %gather3A_243, %get3A_261 : vector<16xf32>
        %add3A_263 = arith.addf %add3A_239, %mul3A_262 : vector<16xf32>
        %add3A_264 = arith.constant 6 : i32
        %add3A_265 = arith.addi %mul3A_121, %add3A_264 : i32
        %broadcast_in_dim3A_266 = vector.broadcast %add3A_265 : i32 to vector<16xi32>
        %gather3A_267 = tpu.vector_load_idx %arg11[%broadcast_in_dim3A_266] : memref<640xf32, #tpu.memory_space<vmem>>[vector<16xi32>], vector<16xf32>,
        %get3A_268 = arith.index_cast %add3A_265 : i32 to index
        %get3A_269 = arith.constant 0 : index
        %get3A_270 = tpu.vector_load %arg10[%get3A_268, %get3A_269] {strides = array<i32>} : memref<640x64xf32, #tpu.memory_space<vmem>>, vector<16xf32>,
        %mul3A_271 = arith.mulf %gather3A_267, %get3A_270 : vector<16xf32>
        %add3A_272 = arith.addf %add3A_248, %mul3A_271 : vector<16xf32>
        %get3A_273 = arith.index_cast %add3A_265 : i32 to index
        %get3A_274 = arith.constant 16 : index
        %get3A_275 = tpu.vector_load %arg10[%get3A_273, %get3A_274] {strides = array<i32>} : memref<640x64xf32, #tpu.memory_space<vmem>>, vector<16xf32>,
        %mul3A_276 = arith.mulf %gather3A_267, %get3A_275 : vector<16xf32>
        %add3A_277 = arith.addf %add3A_253, %mul3A_276 : vector<16xf32>
        %get3A_278 = arith.index_cast %add3A_265 : i32 to index
        %get3A_279 = arith.constant 32 : index
        %get3A_280 = tpu.vector_load %arg10[%get3A_278, %get3A_279] {strides = array<i32>} : memref<640x64xf32, #tpu.memory_space<vmem>>, vector<16xf32>,
        %mul3A_281 = arith.mulf %gather3A_267, %get3A_280 : vector<16xf32>
        %add3A_282 = arith.addf %add3A_258, %mul3A_281 : vector<16xf32>
        %get3A_283 = arith.index_cast %add3A_265 : i32 to index
        %get3A_284 = arith.constant 48 : index
        %get3A_285 = tpu.vector_load %arg10[%get3A_283, %get3A_284] {strides = array<i32>} : memref<640x64xf32, #tpu.memory_space<vmem>>, vector<16xf32>,
        %mul3A_286 = arith.mulf %gather3A_267, %get3A_285 : vector<16xf32>
        %add3A_287 = arith.addf %add3A_263, %mul3A_286 : vector<16xf32>
        %add3A_288 = arith.constant 7 : i32
        %add3A_289 = arith.addi %mul3A_121, %add3A_288 : i32
        %broadcast_in_dim3A_290 = vector.broadcast %add3A_289 : i32 to vector<16xi32>
        %gather3A_291 = tpu.vector_load_idx %arg11[%broadcast_in_dim3A_290] : memref<640xf32, #tpu.memory_space<vmem>>[vector<16xi32>], vector<16xf32>,
        %get3A_292 = arith.index_cast %add3A_289 : i32 to index
        %get3A_293 = arith.constant 0 : index
        %get3A_294 = tpu.vector_load %arg10[%get3A_292, %get3A_293] {strides = array<i32>} : memref<640x64xf32, #tpu.memory_space<vmem>>, vector<16xf32>,
        %mul3A_295 = arith.mulf %gather3A_291, %get3A_294 : vector<16xf32>
        %add3A_296 = arith.addf %add3A_272, %mul3A_295 : vector<16xf32>
        %get3A_297 = arith.index_cast %add3A_289 : i32 to index
        %get3A_298 = arith.constant 16 : index
        %get3A_299 = tpu.vector_load %arg10[%get3A_297, %get3A_298] {strides = array<i32>} : memref<640x64xf32, #tpu.memory_space<vmem>>, vector<16xf32>,
        %mul3A_300 = arith.mulf %gather3A_291, %get3A_299 : vector<16xf32>
        %add3A_301 = arith.addf %add3A_277, %mul3A_300 : vector<16xf32>
        %get3A_302 = arith.index_cast %add3A_289 : i32 to index
        %get3A_303 = arith.constant 32 : index
        %get3A_304 = tpu.vector_load %arg10[%get3A_302, %get3A_303] {strides = array<i32>} : memref<640x64xf32, #tpu.memory_space<vmem>>, vector<16xf32>,
        %mul3A_305 = arith.mulf %gather3A_291, %get3A_304 : vector<16xf32>
        %add3A_306 = arith.addf %add3A_282, %mul3A_305 : vector<16xf32>
        %get3A_307 = arith.index_cast %add3A_289 : i32 to index
        %get3A_308 = arith.constant 48 : index
        %get3A_309 = tpu.vector_load %arg10[%get3A_307, %get3A_308] {strides = array<i32>} : memref<640x64xf32, #tpu.memory_space<vmem>>, vector<16xf32>,
        %mul3A_310 = arith.mulf %gather3A_291, %get3A_309 : vector<16xf32>
        %add3A_311 = arith.addf %add3A_287, %mul3A_310 : vector<16xf32>
        %add3A_312 = arith.constant 8 : i32
        %add3A_313 = arith.addi %mul3A_121, %add3A_312 : i32
        %broadcast_in_dim3A_314 = vector.broadcast %add3A_313 : i32 to vector<16xi32>
        %gather3A_315 = tpu.vector_load_idx %arg11[%broadcast_in_dim3A_314] : memref<640xf32, #tpu.memory_space<vmem>>[vector<16xi32>], vector<16xf32>,
        %get3A_316 = arith.index_cast %add3A_313 : i32 to index
        %get3A_317 = arith.constant 0 : index
        %get3A_318 = tpu.vector_load %arg10[%get3A_316, %get3A_317] {strides = array<i32>} : memref<640x64xf32, #tpu.memory_space<vmem>>, vector<16xf32>,
        %mul3A_319 = arith.mulf %gather3A_315, %get3A_318 : vector<16xf32>
        %add3A_320 = arith.addf %add3A_296, %mul3A_319 : vector<16xf32>
        %get3A_321 = arith.index_cast %add3A_313 : i32 to index
        %get3A_322 = arith.constant 16 : index
        %get3A_323 = tpu.vector_load %arg10[%get3A_321, %get3A_322] {strides = array<i32>} : memref<640x64xf32, #tpu.memory_space<vmem>>, vector<16xf32>,
        %mul3A_324 = arith.mulf %gather3A_315, %get3A_323 : vector<16xf32>
        %add3A_325 = arith.addf %add3A_301, %mul3A_324 : vector<16xf32>
        %get3A_326 = arith.index_cast %add3A_313 : i32 to index
        %get3A_327 = arith.constant 32 : index
        %get3A_328 = tpu.vector_load %arg10[%get3A_326, %get3A_327] {strides = array<i32>} : memref<640x64xf32, #tpu.memory_space<vmem>>, vector<16xf32>,
        %mul3A_329 = arith.mulf %gather3A_315, %get3A_328 : vector<16xf32>
        %add3A_330 = arith.addf %add3A_306, %mul3A_329 : vector<16xf32>
        %get3A_331 = arith.index_cast %add3A_313 : i32 to index
        %get3A_332 = arith.constant 48 : index
        %get3A_333 = tpu.vector_load %arg10[%get3A_331, %get3A_332] {strides = array<i32>} : memref<640x64xf32, #tpu.memory_space<vmem>>, vector<16xf32>,
        %mul3A_334 = arith.mulf %gather3A_315, %get3A_333 : vector<16xf32>
        %add3A_335 = arith.addf %add3A_311, %mul3A_334 : vector<16xf32>
        %add3A_336 = arith.constant 9 : i32
        %add3A_337 = arith.addi %mul3A_121, %add3A_336 : i32
        %broadcast_in_dim3A_338 = vector.broadcast %add3A_337 : i32 to vector<16xi32>
        %gather3A_339 = tpu.vector_load_idx %arg11[%broadcast_in_dim3A_338] : memref<640xf32, #tpu.memory_space<vmem>>[vector<16xi32>], vector<16xf32>,
        %get3A_340 = arith.index_cast %add3A_337 : i32 to index
        %get3A_341 = arith.constant 0 : index
        %get3A_342 = tpu.vector_load %arg10[%get3A_340, %get3A_341] {strides = array<i32>} : memref<640x64xf32, #tpu.memory_space<vmem>>, vector<16xf32>,
        %mul3A_343 = arith.mulf %gather3A_339, %get3A_342 : vector<16xf32>
        %add3A_344 = arith.addf %add3A_320, %mul3A_343 : vector<16xf32>
        %get3A_345 = arith.index_cast %add3A_337 : i32 to index
        %get3A_346 = arith.constant 16 : index
        %get3A_347 = tpu.vector_load %arg10[%get3A_345, %get3A_346] {strides = array<i32>} : memref<640x64xf32, #tpu.memory_space<vmem>>, vector<16xf32>,
        %mul3A_348 = arith.mulf %gather3A_339, %get3A_347 : vector<16xf32>
        %add3A_349 = arith.addf %add3A_325, %mul3A_348 : vector<16xf32>
        %get3A_350 = arith.index_cast %add3A_337 : i32 to index
        %get3A_351 = arith.constant 32 : index
        %get3A_352 = tpu.vector_load %arg10[%get3A_350, %get3A_351] {strides = array<i32>} : memref<640x64xf32, #tpu.memory_space<vmem>>, vector<16xf32>,
        %mul3A_353 = arith.mulf %gather3A_339, %get3A_352 : vector<16xf32>
        %add3A_354 = arith.addf %add3A_330, %mul3A_353 : vector<16xf32>
        %get3A_355 = arith.index_cast %add3A_337 : i32 to index
        %get3A_356 = arith.constant 48 : index
        %get3A_357 = tpu.vector_load %arg10[%get3A_355, %get3A_356] {strides = array<i32>} : memref<640x64xf32, #tpu.memory_space<vmem>>, vector<16xf32>,
        %mul3A_358 = arith.mulf %gather3A_339, %get3A_357 : vector<16xf32>
        %add3A_359 = arith.addf %add3A_335, %mul3A_358 : vector<16xf32>
        %add3A_360 = arith.constant 10 : i32
        %add3A_361 = arith.addi %mul3A_121, %add3A_360 : i32
        %broadcast_in_dim3A_362 = vector.broadcast %add3A_361 : i32 to vector<16xi32>
        %gather3A_363 = tpu.vector_load_idx %arg11[%broadcast_in_dim3A_362] : memref<640xf32, #tpu.memory_space<vmem>>[vector<16xi32>], vector<16xf32>,
        %get3A_364 = arith.index_cast %add3A_361 : i32 to index
        %get3A_365 = arith.constant 0 : index
        %get3A_366 = tpu.vector_load %arg10[%get3A_364, %get3A_365] {strides = array<i32>} : memref<640x64xf32, #tpu.memory_space<vmem>>, vector<16xf32>,
        %mul3A_367 = arith.mulf %gather3A_363, %get3A_366 : vector<16xf32>
        %add3A_368 = arith.addf %add3A_344, %mul3A_367 : vector<16xf32>
        %get3A_369 = arith.index_cast %add3A_361 : i32 to index
        %get3A_370 = arith.constant 16 : index
        %get3A_371 = tpu.vector_load %arg10[%get3A_369, %get3A_370] {strides = array<i32>} : memref<640x64xf32, #tpu.memory_space<vmem>>, vector<16xf32>,
        %mul3A_372 = arith.mulf %gather3A_363, %get3A_371 : vector<16xf32>
        %add3A_373 = arith.addf %add3A_349, %mul3A_372 : vector<16xf32>
        %get3A_374 = arith.index_cast %add3A_361 : i32 to index
        %get3A_375 = arith.constant 32 : index
        %get3A_376 = tpu.vector_load %arg10[%get3A_374, %get3A_375] {strides = array<i32>} : memref<640x64xf32, #tpu.memory_space<vmem>>, vector<16xf32>,
        %mul3A_377 = arith.mulf %gather3A_363, %get3A_376 : vector<16xf32>
        %add3A_378 = arith.addf %add3A_354, %mul3A_377 : vector<16xf32>
        %get3A_379 = arith.index_cast %add3A_361 : i32 to index
        %get3A_380 = arith.constant 48 : index
        %get3A_381 = tpu.vector_load %arg10[%get3A_379, %get3A_380] {strides = array<i32>} : memref<640x64xf32, #tpu.memory_space<vmem>>, vector<16xf32>,
        %mul3A_382 = arith.mulf %gather3A_363, %get3A_381 : vector<16xf32>
        %add3A_383 = arith.addf %add3A_359, %mul3A_382 : vector<16xf32>
        %add3A_384 = arith.constant 11 : i32
        %add3A_385 = arith.addi %mul3A_121, %add3A_384 : i32
        %broadcast_in_dim3A_386 = vector.broadcast %add3A_385 : i32 to vector<16xi32>
        %gather3A_387 = tpu.vector_load_idx %arg11[%broadcast_in_dim3A_386] : memref<640xf32, #tpu.memory_space<vmem>>[vector<16xi32>], vector<16xf32>,
        %get3A_388 = arith.index_cast %add3A_385 : i32 to index
        %get3A_389 = arith.constant 0 : index
        %get3A_390 = tpu.vector_load %arg10[%get3A_388, %get3A_389] {strides = array<i32>} : memref<640x64xf32, #tpu.memory_space<vmem>>, vector<16xf32>,
        %mul3A_391 = arith.mulf %gather3A_387, %get3A_390 : vector<16xf32>
        %add3A_392 = arith.addf %add3A_368, %mul3A_391 : vector<16xf32>
        %get3A_393 = arith.index_cast %add3A_385 : i32 to index
        %get3A_394 = arith.constant 16 : index
        %get3A_395 = tpu.vector_load %arg10[%get3A_393, %get3A_394] {strides = array<i32>} : memref<640x64xf32, #tpu.memory_space<vmem>>, vector<16xf32>,
        %mul3A_396 = arith.mulf %gather3A_387, %get3A_395 : vector<16xf32>
        %add3A_397 = arith.addf %add3A_373, %mul3A_396 : vector<16xf32>
        %get3A_398 = arith.index_cast %add3A_385 : i32 to index
        %get3A_399 = arith.constant 32 : index
        %get3A_400 = tpu.vector_load %arg10[%get3A_398, %get3A_399] {strides = array<i32>} : memref<640x64xf32, #tpu.memory_space<vmem>>, vector<16xf32>,
        %mul3A_401 = arith.mulf %gather3A_387, %get3A_400 : vector<16xf32>
        %add3A_402 = arith.addf %add3A_378, %mul3A_401 : vector<16xf32>
        %get3A_403 = arith.index_cast %add3A_385 : i32 to index
        %get3A_404 = arith.constant 48 : index
        %get3A_405 = tpu.vector_load %arg10[%get3A_403, %get3A_404] {strides = array<i32>} : memref<640x64xf32, #tpu.memory_space<vmem>>, vector<16xf32>,
        %mul3A_406 = arith.mulf %gather3A_387, %get3A_405 : vector<16xf32>
        %add3A_407 = arith.addf %add3A_383, %mul3A_406 : vector<16xf32>
        %add3A_408 = arith.constant 12 : i32
        %add3A_409 = arith.addi %mul3A_121, %add3A_408 : i32
        %broadcast_in_dim3A_410 = vector.broadcast %add3A_409 : i32 to vector<16xi32>
        %gather3A_411 = tpu.vector_load_idx %arg11[%broadcast_in_dim3A_410] : memref<640xf32, #tpu.memory_space<vmem>>[vector<16xi32>], vector<16xf32>,
        %get3A_412 = arith.index_cast %add3A_409 : i32 to index
        %get3A_413 = arith.constant 0 : index
        %get3A_414 = tpu.vector_load %arg10[%get3A_412, %get3A_413] {strides = array<i32>} : memref<640x64xf32, #tpu.memory_space<vmem>>, vector<16xf32>,
        %mul3A_415 = arith.mulf %gather3A_411, %get3A_414 : vector<16xf32>
        %add3A_416 = arith.addf %add3A_392, %mul3A_415 : vector<16xf32>
        %get3A_417 = arith.index_cast %add3A_409 : i32 to index
        %get3A_418 = arith.constant 16 : index
        %get3A_419 = tpu.vector_load %arg10[%get3A_417, %get3A_418] {strides = array<i32>} : memref<640x64xf32, #tpu.memory_space<vmem>>, vector<16xf32>,
        %mul3A_420 = arith.mulf %gather3A_411, %get3A_419 : vector<16xf32>
        %add3A_421 = arith.addf %add3A_397, %mul3A_420 : vector<16xf32>
        %get3A_422 = arith.index_cast %add3A_409 : i32 to index
        %get3A_423 = arith.constant 32 : index
        %get3A_424 = tpu.vector_load %arg10[%get3A_422, %get3A_423] {strides = array<i32>} : memref<640x64xf32, #tpu.memory_space<vmem>>, vector<16xf32>,
        %mul3A_425 = arith.mulf %gather3A_411, %get3A_424 : vector<16xf32>
        %add3A_426 = arith.addf %add3A_402, %mul3A_425 : vector<16xf32>
        %get3A_427 = arith.index_cast %add3A_409 : i32 to index
        %get3A_428 = arith.constant 48 : index
        %get3A_429 = tpu.vector_load %arg10[%get3A_427, %get3A_428] {strides = array<i32>} : memref<640x64xf32, #tpu.memory_space<vmem>>, vector<16xf32>,
        %mul3A_430 = arith.mulf %gather3A_411, %get3A_429 : vector<16xf32>
        %add3A_431 = arith.addf %add3A_407, %mul3A_430 : vector<16xf32>
        %add3A_432 = arith.constant 13 : i32
        %add3A_433 = arith.addi %mul3A_121, %add3A_432 : i32
        %broadcast_in_dim3A_434 = vector.broadcast %add3A_433 : i32 to vector<16xi32>
        %gather3A_435 = tpu.vector_load_idx %arg11[%broadcast_in_dim3A_434] : memref<640xf32, #tpu.memory_space<vmem>>[vector<16xi32>], vector<16xf32>,
        %get3A_436 = arith.index_cast %add3A_433 : i32 to index
        %get3A_437 = arith.constant 0 : index
        %get3A_438 = tpu.vector_load %arg10[%get3A_436, %get3A_437] {strides = array<i32>} : memref<640x64xf32, #tpu.memory_space<vmem>>, vector<16xf32>,
        %mul3A_439 = arith.mulf %gather3A_435, %get3A_438 : vector<16xf32>
        %add3A_440 = arith.addf %add3A_416, %mul3A_439 : vector<16xf32>
        %get3A_441 = arith.index_cast %add3A_433 : i32 to index
        %get3A_442 = arith.constant 16 : index
        %get3A_443 = tpu.vector_load %arg10[%get3A_441, %get3A_442] {strides = array<i32>} : memref<640x64xf32, #tpu.memory_space<vmem>>, vector<16xf32>,
        %mul3A_444 = arith.mulf %gather3A_435, %get3A_443 : vector<16xf32>
        %add3A_445 = arith.addf %add3A_421, %mul3A_444 : vector<16xf32>
        %get3A_446 = arith.index_cast %add3A_433 : i32 to index
        %get3A_447 = arith.constant 32 : index
        %get3A_448 = tpu.vector_load %arg10[%get3A_446, %get3A_447] {strides = array<i32>} : memref<640x64xf32, #tpu.memory_space<vmem>>, vector<16xf32>,
        %mul3A_449 = arith.mulf %gather3A_435, %get3A_448 : vector<16xf32>
        %add3A_450 = arith.addf %add3A_426, %mul3A_449 : vector<16xf32>
        %get3A_451 = arith.index_cast %add3A_433 : i32 to index
        %get3A_452 = arith.constant 48 : index
        %get3A_453 = tpu.vector_load %arg10[%get3A_451, %get3A_452] {strides = array<i32>} : memref<640x64xf32, #tpu.memory_space<vmem>>, vector<16xf32>,
        %mul3A_454 = arith.mulf %gather3A_435, %get3A_453 : vector<16xf32>
        %add3A_455 = arith.addf %add3A_431, %mul3A_454 : vector<16xf32>
        %add3A_456 = arith.constant 14 : i32
        %add3A_457 = arith.addi %mul3A_121, %add3A_456 : i32
        %broadcast_in_dim3A_458 = vector.broadcast %add3A_457 : i32 to vector<16xi32>
        %gather3A_459 = tpu.vector_load_idx %arg11[%broadcast_in_dim3A_458] : memref<640xf32, #tpu.memory_space<vmem>>[vector<16xi32>], vector<16xf32>,
        %get3A_460 = arith.index_cast %add3A_457 : i32 to index
        %get3A_461 = arith.constant 0 : index
        %get3A_462 = tpu.vector_load %arg10[%get3A_460, %get3A_461] {strides = array<i32>} : memref<640x64xf32, #tpu.memory_space<vmem>>, vector<16xf32>,
        %mul3A_463 = arith.mulf %gather3A_459, %get3A_462 : vector<16xf32>
        %add3A_464 = arith.addf %add3A_440, %mul3A_463 : vector<16xf32>
        %get3A_465 = arith.index_cast %add3A_457 : i32 to index
        %get3A_466 = arith.constant 16 : index
        %get3A_467 = tpu.vector_load %arg10[%get3A_465, %get3A_466] {strides = array<i32>} : memref<640x64xf32, #tpu.memory_space<vmem>>, vector<16xf32>,
        %mul3A_468 = arith.mulf %gather3A_459, %get3A_467 : vector<16xf32>
        %add3A_469 = arith.addf %add3A_445, %mul3A_468 : vector<16xf32>
        %get3A_470 = arith.index_cast %add3A_457 : i32 to index
        %get3A_471 = arith.constant 32 : index
        %get3A_472 = tpu.vector_load %arg10[%get3A_470, %get3A_471] {strides = array<i32>} : memref<640x64xf32, #tpu.memory_space<vmem>>, vector<16xf32>,
        %mul3A_473 = arith.mulf %gather3A_459, %get3A_472 : vector<16xf32>
        %add3A_474 = arith.addf %add3A_450, %mul3A_473 : vector<16xf32>
        %get3A_475 = arith.index_cast %add3A_457 : i32 to index
        %get3A_476 = arith.constant 48 : index
        %get3A_477 = tpu.vector_load %arg10[%get3A_475, %get3A_476] {strides = array<i32>} : memref<640x64xf32, #tpu.memory_space<vmem>>, vector<16xf32>,
        %mul3A_478 = arith.mulf %gather3A_459, %get3A_477 : vector<16xf32>
        %add3A_479 = arith.addf %add3A_455, %mul3A_478 : vector<16xf32>
        %add3A_480 = arith.constant 15 : i32
        %add3A_481 = arith.addi %mul3A_121, %add3A_480 : i32
        %broadcast_in_dim3A_482 = vector.broadcast %add3A_481 : i32 to vector<16xi32>
        %gather3A_483 = tpu.vector_load_idx %arg11[%broadcast_in_dim3A_482] : memref<640xf32, #tpu.memory_space<vmem>>[vector<16xi32>], vector<16xf32>,
        %get3A_484 = arith.index_cast %add3A_481 : i32 to index
        %get3A_485 = arith.constant 0 : index
        %get3A_486 = tpu.vector_load %arg10[%get3A_484, %get3A_485] {strides = array<i32>} : memref<640x64xf32, #tpu.memory_space<vmem>>, vector<16xf32>,
        %mul3A_487 = arith.mulf %gather3A_483, %get3A_486 : vector<16xf32>
        %add3A_488 = arith.addf %add3A_464, %mul3A_487 : vector<16xf32>
        %get3A_489 = arith.index_cast %add3A_481 : i32 to index
        %get3A_490 = arith.constant 16 : index
        %get3A_491 = tpu.vector_load %arg10[%get3A_489, %get3A_490] {strides = array<i32>} : memref<640x64xf32, #tpu.memory_space<vmem>>, vector<16xf32>,
        %mul3A_492 = arith.mulf %gather3A_483, %get3A_491 : vector<16xf32>
        %add3A_493 = arith.addf %add3A_469, %mul3A_492 : vector<16xf32>
        %get3A_494 = arith.index_cast %add3A_481 : i32 to index
        %get3A_495 = arith.constant 32 : index
        %get3A_496 = tpu.vector_load %arg10[%get3A_494, %get3A_495] {strides = array<i32>} : memref<640x64xf32, #tpu.memory_space<vmem>>, vector<16xf32>,
        %mul3A_497 = arith.mulf %gather3A_483, %get3A_496 : vector<16xf32>
        %add3A_498 = arith.addf %add3A_474, %mul3A_497 : vector<16xf32>
        %get3A_499 = arith.index_cast %add3A_481 : i32 to index
        %get3A_500 = arith.constant 48 : index
        %get3A_501 = tpu.vector_load %arg10[%get3A_499, %get3A_500] {strides = array<i32>} : memref<640x64xf32, #tpu.memory_space<vmem>>, vector<16xf32>,
        %mul3A_502 = arith.mulf %gather3A_483, %get3A_501 : vector<16xf32>
        %add3A_503 = arith.addf %add3A_479, %mul3A_502 : vector<16xf32>
        %add3A_504 = arith.constant 16 : i32
        %add3A_505 = arith.addi %mul3A_121, %add3A_504 : i32
        %broadcast_in_dim3A_506 = vector.broadcast %add3A_505 : i32 to vector<16xi32>
        %gather3A_507 = tpu.vector_load_idx %arg11[%broadcast_in_dim3A_506] : memref<640xf32, #tpu.memory_space<vmem>>[vector<16xi32>], vector<16xf32>,
        %get3A_508 = arith.index_cast %add3A_505 : i32 to index
        %get3A_509 = arith.constant 0 : index
        %get3A_510 = tpu.vector_load %arg10[%get3A_508, %get3A_509] {strides = array<i32>} : memref<640x64xf32, #tpu.memory_space<vmem>>, vector<16xf32>,
        %mul3A_511 = arith.mulf %gather3A_507, %get3A_510 : vector<16xf32>
        %add3A_512 = arith.addf %add3A_488, %mul3A_511 : vector<16xf32>
        %get3A_513 = arith.index_cast %add3A_505 : i32 to index
        %get3A_514 = arith.constant 16 : index
        %get3A_515 = tpu.vector_load %arg10[%get3A_513, %get3A_514] {strides = array<i32>} : memref<640x64xf32, #tpu.memory_space<vmem>>, vector<16xf32>,
        %mul3A_516 = arith.mulf %gather3A_507, %get3A_515 : vector<16xf32>
        %add3A_517 = arith.addf %add3A_493, %mul3A_516 : vector<16xf32>
        %get3A_518 = arith.index_cast %add3A_505 : i32 to index
        %get3A_519 = arith.constant 32 : index
        %get3A_520 = tpu.vector_load %arg10[%get3A_518, %get3A_519] {strides = array<i32>} : memref<640x64xf32, #tpu.memory_space<vmem>>, vector<16xf32>,
        %mul3A_521 = arith.mulf %gather3A_507, %get3A_520 : vector<16xf32>
        %add3A_522 = arith.addf %add3A_498, %mul3A_521 : vector<16xf32>
        %get3A_523 = arith.index_cast %add3A_505 : i32 to index
        %get3A_524 = arith.constant 48 : index
        %get3A_525 = tpu.vector_load %arg10[%get3A_523, %get3A_524] {strides = array<i32>} : memref<640x64xf32, #tpu.memory_space<vmem>>, vector<16xf32>,
        %mul3A_526 = arith.mulf %gather3A_507, %get3A_525 : vector<16xf32>
        %add3A_527 = arith.addf %add3A_503, %mul3A_526 : vector<16xf32>
        %add3A_528 = arith.constant 17 : i32
        %add3A_529 = arith.addi %mul3A_121, %add3A_528 : i32
        %broadcast_in_dim3A_530 = vector.broadcast %add3A_529 : i32 to vector<16xi32>
        %gather3A_531 = tpu.vector_load_idx %arg11[%broadcast_in_dim3A_530] : memref<640xf32, #tpu.memory_space<vmem>>[vector<16xi32>], vector<16xf32>,
        %get3A_532 = arith.index_cast %add3A_529 : i32 to index
        %get3A_533 = arith.constant 0 : index
        %get3A_534 = tpu.vector_load %arg10[%get3A_532, %get3A_533] {strides = array<i32>} : memref<640x64xf32, #tpu.memory_space<vmem>>, vector<16xf32>,
        %mul3A_535 = arith.mulf %gather3A_531, %get3A_534 : vector<16xf32>
        %add3A_536 = arith.addf %add3A_512, %mul3A_535 : vector<16xf32>
        %get3A_537 = arith.index_cast %add3A_529 : i32 to index
        %get3A_538 = arith.constant 16 : index
        %get3A_539 = tpu.vector_load %arg10[%get3A_537, %get3A_538] {strides = array<i32>} : memref<640x64xf32, #tpu.memory_space<vmem>>, vector<16xf32>,
        %mul3A_540 = arith.mulf %gather3A_531, %get3A_539 : vector<16xf32>
        %add3A_541 = arith.addf %add3A_517, %mul3A_540 : vector<16xf32>
        %get3A_542 = arith.index_cast %add3A_529 : i32 to index
        %get3A_543 = arith.constant 32 : index
        %get3A_544 = tpu.vector_load %arg10[%get3A_542, %get3A_543] {strides = array<i32>} : memref<640x64xf32, #tpu.memory_space<vmem>>, vector<16xf32>,
        %mul3A_545 = arith.mulf %gather3A_531, %get3A_544 : vector<16xf32>
        %add3A_546 = arith.addf %add3A_522, %mul3A_545 : vector<16xf32>
        %get3A_547 = arith.index_cast %add3A_529 : i32 to index
        %get3A_548 = arith.constant 48 : index
        %get3A_549 = tpu.vector_load %arg10[%get3A_547, %get3A_548] {strides = array<i32>} : memref<640x64xf32, #tpu.memory_space<vmem>>, vector<16xf32>,
        %mul3A_550 = arith.mulf %gather3A_531, %get3A_549 : vector<16xf32>
        %add3A_551 = arith.addf %add3A_527, %mul3A_550 : vector<16xf32>
        %add3A_552 = arith.constant 18 : i32
        %add3A_553 = arith.addi %mul3A_121, %add3A_552 : i32
        %broadcast_in_dim3A_554 = vector.broadcast %add3A_553 : i32 to vector<16xi32>
        %gather3A_555 = tpu.vector_load_idx %arg11[%broadcast_in_dim3A_554] : memref<640xf32, #tpu.memory_space<vmem>>[vector<16xi32>], vector<16xf32>,
        %get3A_556 = arith.index_cast %add3A_553 : i32 to index
        %get3A_557 = arith.constant 0 : index
        %get3A_558 = tpu.vector_load %arg10[%get3A_556, %get3A_557] {strides = array<i32>} : memref<640x64xf32, #tpu.memory_space<vmem>>, vector<16xf32>,
        %mul3A_559 = arith.mulf %gather3A_555, %get3A_558 : vector<16xf32>
        %add3A_560 = arith.addf %add3A_536, %mul3A_559 : vector<16xf32>
        %get3A_561 = arith.index_cast %add3A_553 : i32 to index
        %get3A_562 = arith.constant 16 : index
        %get3A_563 = tpu.vector_load %arg10[%get3A_561, %get3A_562] {strides = array<i32>} : memref<640x64xf32, #tpu.memory_space<vmem>>, vector<16xf32>,
        %mul3A_564 = arith.mulf %gather3A_555, %get3A_563 : vector<16xf32>
        %add3A_565 = arith.addf %add3A_541, %mul3A_564 : vector<16xf32>
        %get3A_566 = arith.index_cast %add3A_553 : i32 to index
        %get3A_567 = arith.constant 32 : index
        %get3A_568 = tpu.vector_load %arg10[%get3A_566, %get3A_567] {strides = array<i32>} : memref<640x64xf32, #tpu.memory_space<vmem>>, vector<16xf32>,
        %mul3A_569 = arith.mulf %gather3A_555, %get3A_568 : vector<16xf32>
        %add3A_570 = arith.addf %add3A_546, %mul3A_569 : vector<16xf32>
        %get3A_571 = arith.index_cast %add3A_553 : i32 to index
        %get3A_572 = arith.constant 48 : index
        %get3A_573 = tpu.vector_load %arg10[%get3A_571, %get3A_572] {strides = array<i32>} : memref<640x64xf32, #tpu.memory_space<vmem>>, vector<16xf32>,
        %mul3A_574 = arith.mulf %gather3A_555, %get3A_573 : vector<16xf32>
        %add3A_575 = arith.addf %add3A_551, %mul3A_574 : vector<16xf32>
        %add3A_576 = arith.constant 19 : i32
        %add3A_577 = arith.addi %mul3A_121, %add3A_576 : i32
        %broadcast_in_dim3A_578 = vector.broadcast %add3A_577 : i32 to vector<16xi32>
        %gather3A_579 = tpu.vector_load_idx %arg11[%broadcast_in_dim3A_578] : memref<640xf32, #tpu.memory_space<vmem>>[vector<16xi32>], vector<16xf32>,
        %get3A_580 = arith.index_cast %add3A_577 : i32 to index
        %get3A_581 = arith.constant 0 : index
        %get3A_582 = tpu.vector_load %arg10[%get3A_580, %get3A_581] {strides = array<i32>} : memref<640x64xf32, #tpu.memory_space<vmem>>, vector<16xf32>,
        %mul3A_583 = arith.mulf %gather3A_579, %get3A_582 : vector<16xf32>
        %add3A_584 = arith.addf %add3A_560, %mul3A_583 : vector<16xf32>
        %get3A_585 = arith.index_cast %add3A_577 : i32 to index
        %get3A_586 = arith.constant 16 : index
        %get3A_587 = tpu.vector_load %arg10[%get3A_585, %get3A_586] {strides = array<i32>} : memref<640x64xf32, #tpu.memory_space<vmem>>, vector<16xf32>,
        %mul3A_588 = arith.mulf %gather3A_579, %get3A_587 : vector<16xf32>
        %add3A_589 = arith.addf %add3A_565, %mul3A_588 : vector<16xf32>
        %get3A_590 = arith.index_cast %add3A_577 : i32 to index
        %get3A_591 = arith.constant 32 : index
        %get3A_592 = tpu.vector_load %arg10[%get3A_590, %get3A_591] {strides = array<i32>} : memref<640x64xf32, #tpu.memory_space<vmem>>, vector<16xf32>,
        %mul3A_593 = arith.mulf %gather3A_579, %get3A_592 : vector<16xf32>
        %add3A_594 = arith.addf %add3A_570, %mul3A_593 : vector<16xf32>
        %get3A_595 = arith.index_cast %add3A_577 : i32 to index
        %get3A_596 = arith.constant 48 : index
        %get3A_597 = tpu.vector_load %arg10[%get3A_595, %get3A_596] {strides = array<i32>} : memref<640x64xf32, #tpu.memory_space<vmem>>, vector<16xf32>,
        %mul3A_598 = arith.mulf %gather3A_579, %get3A_597 : vector<16xf32>
        %add3A_599 = arith.addf %add3A_575, %mul3A_598 : vector<16xf32>
        %swap3A = arith.index_cast %scan3A_118 : i32 to index
        %swap3A_600 = arith.constant 0 : index
        %swap3A_601 = tpu.vector_load %arg12[%swap3A, %swap3A_600] {strides = array<i32>} : memref<32x64xf32, #tpu.memory_space<vmem>>, vector<16xf32>,
        tpu.vector_store %arg12[%swap3A, %swap3A_600], %add3A_584 {strides = array<i32>} : memref<32x64xf32, #tpu.memory_space<vmem>>, vector<16xf32>,
        %swap3A_602 = arith.index_cast %scan3A_118 : i32 to index
        %swap3A_603 = arith.constant 16 : index
        %swap3A_604 = tpu.vector_load %arg12[%swap3A_602, %swap3A_603] {strides = array<i32>} : memref<32x64xf32, #tpu.memory_space<vmem>>, vector<16xf32>,
        tpu.vector_store %arg12[%swap3A_602, %swap3A_603], %add3A_589 {strides = array<i32>} : memref<32x64xf32, #tpu.memory_space<vmem>>, vector<16xf32>,
        %swap3A_605 = arith.index_cast %scan3A_118 : i32 to index
        %swap3A_606 = arith.constant 32 : index
        %swap3A_607 = tpu.vector_load %arg12[%swap3A_605, %swap3A_606] {strides = array<i32>} : memref<32x64xf32, #tpu.memory_space<vmem>>, vector<16xf32>,
        tpu.vector_store %arg12[%swap3A_605, %swap3A_606], %add3A_594 {strides = array<i32>} : memref<32x64xf32, #tpu.memory_space<vmem>>, vector<16xf32>,
        %swap3A_608 = arith.index_cast %scan3A_118 : i32 to index
        %swap3A_609 = arith.constant 48 : index
        %swap3A_610 = tpu.vector_load %arg12[%swap3A_608, %swap3A_609] {strides = array<i32>} : memref<32x64xf32, #tpu.memory_space<vmem>>, vector<16xf32>,
        tpu.vector_store %arg12[%swap3A_608, %swap3A_609], %add3A_599 {strides = array<i32>} : memref<32x64xf32, #tpu.memory_space<vmem>>, vector<16xf32>,
        %scan3A_611 = arith.constant 0 : i32
        scf.yield %scan3A_611 : i32
      }
      %scan3A_116 = arith.constant 32 : i32
      "tpu.region"() ({
        %run_scoped3A = tpu.sem_alloc : memref<!tpu.dma_semaphore, #tpu.memory_space<semaphore_mem>>
        %dma_start3A_118 = arith.constant 0 : i32
        %dma_start3A_119 = arith.constant 0 : i32
        %dma_start3A_120 = tpu.memref_slice %arg12[%dma_start3A_118, %dma_start3A_119] : memref<32x64xf32, #tpu.memory_space<vmem>> -> memref<32x64xf32, #tpu.memory_space<vmem>>
        %dma_start3A_121 = arith.constant 0 : i32
        %dma_start3A_122 = tpu.memref_slice %arg8[%add3A_27, %dma_start3A_121] : memref<100352x64xf32, #tpu.memory_space<hbm>> -> memref<32x64xf32, #tpu.memory_space<hbm>>
        %dma_start3A_123 = arith.constant 0 : i32
        %dma_start3A_124 = tpu.memref_slice %arg8[%add3A_27, %dma_start3A_123] : memref<100352x64xf32, #tpu.memory_space<hbm>> -> memref<32x64xf32, #tpu.memory_space<hbm>>
        %dma_start3A_125 = arith.constant 0 : i32
        %dma_start3A_126 = arith.constant 0 : i32
        %dma_start3A_127 = tpu.memref_slice %arg12[%dma_start3A_125, %dma_start3A_126] : memref<32x64xf32, #tpu.memory_space<vmem>> -> memref<32x64xf32, #tpu.memory_space<vmem>>
        tpu.enqueue_dma source(%dma_start3A_127 : memref<32x64xf32, #tpu.memory_space<vmem>>) target(%dma_start3A_124 : memref<32x64xf32, #tpu.memory_space<hbm>>) target_semaphore(%run_scoped3A : memref<!tpu.dma_semaphore, #tpu.memory_space<semaphore_mem>>)
        %dma_wait3A_128 = arith.constant 0 : i32
        %dma_wait3A_129 = arith.constant 0 : i32
        %dma_wait3A_130 = tpu.memref_slice %arg12[%dma_wait3A_128, %dma_wait3A_129] : memref<32x64xf32, #tpu.memory_space<vmem>> -> memref<32x64xf32, #tpu.memory_space<vmem>>
        %dma_wait3A_131 = arith.constant 0 : i32
        %dma_wait3A_132 = tpu.memref_slice %arg8[%add3A_27, %dma_wait3A_131] : memref<100352x64xf32, #tpu.memory_space<hbm>> -> memref<32x64xf32, #tpu.memory_space<hbm>>
        %dma_wait3A_133 = arith.constant 0 : i32
        %dma_wait3A_134 = tpu.memref_slice %arg8[%add3A_27, %dma_wait3A_133] : memref<100352x64xf32, #tpu.memory_space<hbm>> -> memref<32x64xf32, #tpu.memory_space<hbm>>
        %dma_wait3A_135 = arith.constant 0 : i32
        %dma_wait3A_136 = arith.constant 0 : i32
        %dma_wait3A_137 = tpu.memref_slice %arg12[%dma_wait3A_135, %dma_wait3A_136] : memref<32x64xf32, #tpu.memory_space<vmem>> -> memref<32x64xf32, #tpu.memory_space<vmem>>
        tpu.wait_dma2 semaphore(%run_scoped3A : memref<!tpu.dma_semaphore, #tpu.memory_space<semaphore_mem>>) src(%dma_wait3A_137 : memref<32x64xf32, #tpu.memory_space<vmem>>) dst(%dma_wait3A_134 : memref<32x64xf32, #tpu.memory_space<hbm>>)
        tpu.yield
      }) : () -> ()
      %scan3A_117 = arith.constant 0 : i32
      scf.yield %scan3A_117 : i32
    }
    %scan3A_20 = arith.constant 98 : i32
    return
  }
}

module attributes {stable_mosaic.version = 14 : i64} {
  func.func @_logits_body(%arg0: i32, %arg1: memref<1024x64xf32, #tpu.memory_space<vmem>>, %arg2: memref<64x64xf32, #tpu.memory_space<vmem>>, %arg3: memref<1x64xf32, #tpu.memory_space<vmem>>, %arg4: memref<2048x64xf32, #tpu.memory_space<vmem>>, %arg5: memref<2048x64xf32, #tpu.memory_space<vmem>>, %arg6: memref<1x2048xf32, #tpu.memory_space<vmem>>, %arg7: memref<1024x2048xf32, #tpu.memory_space<vmem>>, %arg8: memref<1024x64xf32, #tpu.memory_space<vmem>>) attributes {dimension_semantics = [#tpu.dimension_semantics<arbitrary>], iteration_bounds = array<i64: 49>, scalar_prefetch = 0 : i64, scratch_operands = 1 : i64, tpu.core_type = #tpu.core_type<tc>, window_params = [{pipeline_mode = #tpu.pipeline_mode<synchronous>, transform_indices = @transform_0, window_bounds = array<i64: 1024, 64>}, {pipeline_mode = #tpu.pipeline_mode<synchronous>, transform_indices = @transform_1, window_bounds = array<i64: 64, 64>}, {pipeline_mode = #tpu.pipeline_mode<synchronous>, transform_indices = @transform_2, window_bounds = array<i64: 1, 64>}, {transform_indices = @transform_3, window_bounds = array<i64: 2048, 64>}, {transform_indices = @transform_4, window_bounds = array<i64: 2048, 64>}, {transform_indices = @transform_5, window_bounds = array<i64: 1, 2048>}, {transform_indices = @transform_6, window_bounds = array<i64: 1024, 2048>}]} {
    %eq3A = arith.constant 0 : i32
    %eq3A_0 = arith.cmpi eq, %arg0, %eq3A : i32
    %convert_element_type3A = arith.extui %eq3A_0 : i1 to i32
    %cond3A = arith.constant 0 : i32
    %cond3A_1 = arith.cmpi ne, %convert_element_type3A, %cond3A : i32
    scf.if %cond3A_1 {
      %get3A_18 = arith.constant 0 : index
      %get3A_19 = arith.constant 0 : index
      %get3A_20 = vector.load %arg1[%get3A_18, %get3A_19] : memref<1024x64xf32, #tpu.memory_space<vmem>>, vector<1024x64xf32>
      %get3A_21 = arith.constant 0 : index
      %get3A_22 = arith.constant 0 : index
      %get3A_23 = vector.load %arg2[%get3A_21, %get3A_22] : memref<64x64xf32, #tpu.memory_space<vmem>>, vector<64x64xf32>
      %dot_general3A_24 = arith.constant dense<0.000000e+00> : vector<1024x64xf32>
      %dot_general3A_25 = tpu.matmul %get3A_20, %get3A_23, %dot_general3A_24 {dimension_numbers = #tpu.dot_dimension_numbers<[1], [0], [0], [1], [0, 0, 1, 1], [], []>, precision = #tpu.contract_precision<fp32>, transpose_lhs_hint = false} : vector<1024x64xf32>, vector<64x64xf32>, vector<1024x64xf32> -> vector<1024x64xf32>
      %get3A_26 = arith.constant 0 : index
      %get3A_27 = arith.constant 0 : index
      %get3A_28 = vector.load %arg3[%get3A_26, %get3A_27] : memref<1x64xf32, #tpu.memory_space<vmem>>, vector<1x64xf32>
      %add3A_29 = vector.broadcast %get3A_28 : vector<1x64xf32> to vector<1024x64xf32>
      %add3A_30 = arith.addf %dot_general3A_25, %add3A_29 : vector<1024x64xf32>
      %max3A = arith.constant 0.000000e+00 : f32
      %max3A_31 = vector.broadcast %max3A : f32 to vector<1024x64xf32>
      %max3A_32 = arith.maximumf %add3A_30, %max3A_31 : vector<1024x64xf32>
      %add3A_33 = arith.addf %get3A_20, %max3A_32 : vector<1024x64xf32>
      %swap3A_34 = arith.constant 0 : index
      %swap3A_35 = arith.constant 0 : index
      %swap3A_36 = vector.load %arg8[%swap3A_34, %swap3A_35] : memref<1024x64xf32, #tpu.memory_space<vmem>>, vector<1024x64xf32>
      tpu.vector_store %arg8[%swap3A_34, %swap3A_35], %add3A_33 {strides = array<i32>} : memref<1024x64xf32, #tpu.memory_space<vmem>>, vector<1024x64xf32>,
    } else {
    }
    %get3A = arith.constant 0 : index
    %get3A_2 = arith.constant 0 : index
    %get3A_3 = vector.load %arg4[%get3A, %get3A_2] : memref<2048x64xf32, #tpu.memory_space<vmem>>, vector<2048x64xf32>
    %get3A_4 = arith.constant 0 : index
    %get3A_5 = arith.constant 0 : index
    %get3A_6 = vector.load %arg5[%get3A_4, %get3A_5] : memref<2048x64xf32, #tpu.memory_space<vmem>>, vector<2048x64xf32>
    %add3A = arith.addf %get3A_3, %get3A_6 : vector<2048x64xf32>
    %get3A_7 = arith.constant 0 : index
    %get3A_8 = arith.constant 0 : index
    %get3A_9 = vector.load %arg8[%get3A_7, %get3A_8] : memref<1024x64xf32, #tpu.memory_space<vmem>>, vector<1024x64xf32>
    %dot_general3A = arith.constant dense<0.000000e+00> : vector<1024x2048xf32>
    %dot_general3A_10 = tpu.matmul %get3A_9, %add3A, %dot_general3A {dimension_numbers = #tpu.dot_dimension_numbers<[1], [1], [0], [0], [0, 0, 1, 0], [], []>, precision = #tpu.contract_precision<fp32>, transpose_lhs_hint = false} : vector<1024x64xf32>, vector<2048x64xf32>, vector<1024x2048xf32> -> vector<1024x2048xf32>
    %get3A_11 = arith.constant 0 : index
    %get3A_12 = arith.constant 0 : index
    %get3A_13 = vector.load %arg6[%get3A_11, %get3A_12] : memref<1x2048xf32, #tpu.memory_space<vmem>>, vector<1x2048xf32>
    %add3A_14 = vector.broadcast %get3A_13 : vector<1x2048xf32> to vector<1024x2048xf32>
    %add3A_15 = arith.addf %dot_general3A_10, %add3A_14 : vector<1024x2048xf32>
    %swap3A = arith.constant 0 : index
    %swap3A_16 = arith.constant 0 : index
    %swap3A_17 = vector.load %arg7[%swap3A, %swap3A_16] : memref<1024x2048xf32, #tpu.memory_space<vmem>>, vector<1024x2048xf32>
    tpu.vector_store %arg7[%swap3A, %swap3A_16], %add3A_15 {strides = array<i32>} : memref<1024x2048xf32, #tpu.memory_space<vmem>>, vector<1024x2048xf32>,
    return
  }
  func.func @transform_0(%arg0: i32) -> (i32, i32) {
    %c0_i32 = arith.constant 0 : i32
    %c0_i32_0 = arith.constant 0 : i32
    %c0_i32_1 = arith.constant 0 : i32
    return %c0_i32, %c0_i32_0 : i32, i32
  }
  func.func @transform_1(%arg0: i32) -> (i32, i32) {
    %c0_i32 = arith.constant 0 : i32
    %c0_i32_0 = arith.constant 0 : i32
    %c0_i32_1 = arith.constant 0 : i32
    return %c0_i32, %c0_i32_0 : i32, i32
  }
  func.func @transform_2(%arg0: i32) -> (i32, i32) {
    %c0_i32 = arith.constant 0 : i32
    %c0_i32_0 = arith.constant 0 : i32
    %c0_i32_1 = arith.constant 0 : i32
    return %c0_i32, %c0_i32_0 : i32, i32
  }
  func.func @transform_3(%arg0: i32) -> (i32, i32) {
    %c0_i32 = arith.constant 0 : i32
    %c0_i32_0 = arith.constant 0 : i32
    return %arg0, %c0_i32 : i32, i32
  }
  func.func @transform_4(%arg0: i32) -> (i32, i32) {
    %c0_i32 = arith.constant 0 : i32
    %c0_i32_0 = arith.constant 0 : i32
    return %arg0, %c0_i32 : i32, i32
  }
  func.func @transform_5(%arg0: i32) -> (i32, i32) {
    %c0_i32 = arith.constant 0 : i32
    %c0_i32_0 = arith.constant 0 : i32
    return %c0_i32, %arg0 : i32, i32
  }
  func.func @transform_6(%arg0: i32) -> (i32, i32) {
    %c0_i32 = arith.constant 0 : i32
    %c0_i32_0 = arith.constant 0 : i32
    return %c0_i32, %arg0 : i32, i32
  }
}

</mosaic_0001>

<sc_bundles>
// kernel: kernel.4.cloned.1.call-start
scs
__scs_entry_jumppad:
0x0: {  	(pc) =	sbr.rel $0x88, $3  }
0x1: {  	(tag) =	ssettag $0x0;
	lr =	simm.s32 $0x1  }
0x2: {  	[smem:$0x3F98] =	sst lr;
	_ =	strace $0xD0000000  }
0x3: {  	_ = 	snop  }
0x4: {  	_ = 	snop  }
0x5: {  	_ = 	snop  }
0x6: {  	_ = 	snop  }
0x7: {  	_ = 	snop  }
__scs_overlays_trampoline_lowered:
0x8: {  	[smem:$0x3FA7] =	sst s0  }
0x9: {  	[smem:$0x3FA8] =	sst s1  }
0xa: {  	[smem:$0x3FA9] =	sst s2  }
0xb: {  	[smem:$0x3FAA] =	sst s3  }
0xc: {  	[smem:$0x3FAB] =	sst s4  }
0xd: {  	[smem:$0x3FAC] =	sst s5  }
0xe: {  	[smem:$0x3FAD] =	sst s6  }
0xf: {  	[smem:$0x3FAE] =	sst s7  }
0x10: {  	[smem:$0x3FAF] =	sst s8  }
0x11: {  	[smem:$0x3FB0] =	sst s9;
	s0 =	simm.s32 @!p0 $0x0  }
0x12: {  	s1 =	sld [smem:$0x3F96];
	s0 =	simm.s32 @p0 $0x1  }
0x13: {  	[smem:$0x3FB1] =	sst s0;
	s0 =	simm.s32 @!p1 $0x0  }
0x14: {  	s2 =	sld [smem:$0x3F95];
	s0 =	simm.s32 @p1 $0x1  }
0x15: {  	[smem:$0x3FB2] =	sst s0;
	s0 =	simm.s32 @!p2 $0x0  }
0x16: {  	s3 =	sld [smem:$0x3FDB];
	s0 =	simm.s32 @p2 $0x1  }
0x17: {  	s4 =	simm.s32 $0x1BF5;
	[smem:$0x3FB4] =	sst s0  }
0x18: {  	s0 =	sld [smem:$0x3F97];
	_ =	swait.ge [sflag:s4], $0x0  }
0x19: {  	s7 =	sld [smem:$0x3F98]  }
0x1a: {  	s8 =	sadd.s32 $0xFFFFE003, lr  }
0x1b: {  	s9 =	sadd.s32 $0xFFFFFEF7, lr;
	s5 =	simm.s32 $0xFFFFFFFF;
	p2 =	slt.u32 s8, $0xFFFFF086  }
0x1c: {  	p1 =	slt.u32 s9, $0xF7A;
	s5 =	simm.s32 @!p2 $0x0  }
0x1d: {  	s5 =	simm.s32 @p1 $0x1;
	p0 =	seq.s32 s7, s2  }
0x1e: {  	s7 =	smul.u32 @!p0 $0xF7A, s2;
	p2 =	seq.s32 @!p0 s5, $0x0  }
0x1f: {  	s9 =	smul.u32 $0xF7A, s1;
	s8 =	simm.s32 @!p0 $0x1BF5;
	p2 =	por !p2, p0  }
0x20: {  	[sflag:s8] =	ssyncset.s32 @!p0 $0xFFFFF086;
	s6 =	sadd.s32 @!p0 s3, s7;
	s7 =	simm.s32 @!p0 $0x108  }
0x21: {  	s3 =	sadd.s32 s3, s9;
	s6 =	sadd.s32 @!p0 $0x88, s6;
	s7 =	simm.s32 @p2 $0x1082  }
0x22: {  	[simem:s7], [sflag:s8] =	dma.local @!p0 [hbm:s6], $0xF7A  }
0x23: {  	s9 =	sor.u32 $0xD0000000, s2;
	s6 =	simm.s32 $0x108;
	_ =	swait.ge @!p0 [sflag:s8], $0x0  }
0x24: {  	s3 =	sadd.s32 $0x88, s3;
	s6 =	simm.s32 @!p1 $0x1082;
	[sflag:s4] =	ssyncset.s32 $0xFFFFF086  }
0x25: {  	[simem:s6], [sflag:s4] =	dma.local [hbm:s3], $0xF7A  }
0x26: {  	[smem:$0x3F98] =	sst s1;
	(tag) =	ssettag s2;
	_ =	strace s9  }
0x27: {  	s1 =	sld [smem:$0x3FA8]  }
0x28: {  	s2 =	sld [smem:$0x3FA9]  }
0x29: {  	s4 =	sld [smem:$0x3FAB]  }
0x2a: {  	p0 =	seq.s32 s5, $0x0;
	s5 =	sld [smem:$0x3FAC]  }
0x2b: {  	s6 =	sld [smem:$0x3FAD]  }
0x2c: {  	s7 =	sld [smem:$0x3FAE]  }
0x2d: {  	s3 =	simm.s32 $0x108;
	s8 =	sld [smem:$0x3FAF]  }
0x2e: {  	s3 =	simm.s32 @!p0 $0x1082;
	s9 =	sld [smem:$0x3FB0]  }
0x2f: {  	lr =	sadd.s32 s0, s3;
	s0 =	sld [smem:$0x3FA7]  }
0x30: {  	s3 =	sld [smem:$0x3FAA]  }
0x31: {  	[smem:$0x3FB3] =	sst s10  }
0x32: {  	s10 =	sld [smem:$0x3FB1];
	_ =	sdelay $0x3  }
0x33: {  	p0 =	seq.s32 s10, $0x1;
	s10 =	sld [smem:$0x3FB3];
	_ =	sdelay $0x3  }
0x34: {  	[smem:$0x3FB3] =	sst s10  }
0x35: {  	s10 =	sld [smem:$0x3FB2];
	_ =	sdelay $0x3  }
0x36: {  	p1 =	seq.s32 s10, $0x1;
	s10 =	sld [smem:$0x3FB3];
	_ =	sdelay $0x3  }
0x37: {  	[smem:$0x3FB3] =	sst s10  }
0x38: {  	s10 =	sld [smem:$0x3FB4]  }
0x39: {  	_ = 	snop;
	(pc) =	sbr.ind lr, $3  }
0x3a: {  	_ = 	snop  }
0x3b: {  	_ = 	snop  }
0x3c: {  	p2 =	seq.s32 s10, $0x1;
	s10 =	sld [smem:$0x3FB3]  }
0x3d: {  	_ =	shalt  }
0x3e: {  	_ =	shalt  }
0x3f: {  	_ =	shalt  }
0x40: {  	_ =	shalt  }
0x41: {  	_ =	shalt  }
0x42: {  	_ =	shalt  }
0x43: {  	_ =	shalt  }
0x44: {  	_ =	shalt  }
0x45: {  	_ =	shalt  }
0x46: {  	_ =	shalt  }
0x47: {  	_ =	shalt  }
0x48: {  	_ =	shalt  }
0x49: {  	_ =	shalt  }
0x4a: {  	_ =	shalt  }
0x4b: {  	_ =	shalt  }
0x4c: {  	_ =	shalt  }
0x4d: {  	_ =	shalt  }
0x4e: {  	_ =	shalt  }
0x4f: {  	_ =	shalt  }
0x50: {  	_ =	shalt  }
0x51: {  	_ =	shalt  }
0x52: {  	_ =	shalt  }
0x53: {  	_ =	shalt  }
0x54: {  	_ =	shalt  }
0x55: {  	_ =	shalt  }
0x56: {  	_ =	shalt  }
0x57: {  	_ =	shalt  }
0x58: {  	_ =	shalt  }
0x59: {  	_ =	shalt  }
0x5a: {  	_ =	shalt  }
0x5b: {  	_ =	shalt  }
0x5c: {  	_ =	shalt  }
0x5d: {  	_ =	shalt  }
0x5e: {  	_ =	shalt  }
0x5f: {  	_ =	shalt  }
0x60: {  	_ =	shalt  }
0x61: {  	_ =	shalt  }
0x62: {  	_ =	shalt  }
0x63: {  	_ =	shalt  }
0x64: {  	_ =	shalt  }
0x65: {  	_ =	shalt  }
0x66: {  	_ =	shalt  }
0x67: {  	_ =	shalt  }
0x68: {  	_ =	shalt  }
0x69: {  	_ =	shalt  }
0x6a: {  	_ =	shalt  }
0x6b: {  	_ =	shalt  }
0x6c: {  	_ =	shalt  }
0x6d: {  	_ =	shalt  }
0x6e: {  	_ =	shalt  }
0x6f: {  	_ =	shalt  }
0x70: {  	_ =	shalt  }
0x71: {  	_ =	shalt  }
0x72: {  	_ =	shalt  }
0x73: {  	_ =	shalt  }
0x74: {  	_ =	shalt  }
0x75: {  	_ =	shalt  }
0x76: {  	_ =	shalt  }
0x77: {  	_ =	shalt  }
0x78: {  	_ =	shalt  }
0x79: {  	_ =	shalt  }
0x7a: {  	_ =	shalt  }
0x7b: {  	_ =	shalt  }
0x7c: {  	_ =	shalt  }
0x7d: {  	_ =	shalt  }
0x7e: {  	_ =	shalt  }
0x7f: {  	_ =	shalt  }
0x80: {  	_ =	shalt  }
0x81: {  	_ =	shalt  }
0x82: {  	_ =	shalt  }
0x83: {  	_ =	shalt  }
0x84: {  	_ =	shalt  }
0x85: {  	_ =	shalt  }
0x86: {  	_ =	shalt  }
0x87: {  	_ =	shalt  }
.Lfunc_end0:
.L_simem_size_0:
called_computation_lowered:
.L_overlay_start_0:
0x88: {  	s2 =	sld [smem:$0x3FD9]  }
0x89: {  	s3 =	sld [smem:$0x3FFE];
	_ =	sdelay $0x1  }
0x8a: {  	s1 =	srdreg.scid  }
0x8b: {  	s0 =	sand.u32 $0x1, s1  }
0x8c: {  	s17 =	sshll.u32 s0, $0xA;
	s2 =	sadd.s32 s3, s2  }
0x8d: {  	s2 =	sadd.s32 s2, s17  }
0x8e: {  	[smem:$0x3FBF] =	sst s2  }
0x8f: {  	_ = 	snop  }
0x90: {  	s2 =	sld [smem:$0x3FD0];
	(tm) =	ssettm $0x1  }
0x91: {  	s18 =	sld [smem:$0x3FFB];
	_ =	sdelay $0x3  }
0x92: {  	_ =	strace s18  }
0x93: {  	s3 =	sld [smem:$0x3FFC];
	_ =	sdelay $0x3  }
0x94: {  	_ =	strace s3  }
0x95: {  	s3 =	sld [smem:$0x3FFD];
	_ =	sdelay $0x3  }
0x96: {  	_ =	strace s3  }
0x97: {  	_ =	strace $0x8FFFFFFF  }
0x98: {  	s19 =	sld [smem:$0x3FDB];
	_ =	sdelay $0x1  }
0x99: {  	s4 =	simm.s32 $_scs_section_size  }
0x9a: {  	s5 =	simm.s32 $_size__tile_overlayer_lowered;
	s6 =	simm.s32 $_tile_overlayer_lowered  }
0x9b: {  	s22 =	simm.s32 $0x1BFF;
	s21 =	sshll.u32 s6, $0x1;
	s3 =	sadd.s32 s4, s19  }
0x9c: {  	s7 =	simm.s32 $0x0;
	s20 =	sshll.u32 s5, $0x1;
	s5 =	sadd.s32 s21, s3  }
0x9d: {  	[timem:s7], [sflag:s22] =	dma.local [hbm:s5], s20  }
0x9e: {  	_ =	swait.ge [sflag:s22], s20  }
0x9f: {  	s4 =	ssub.s32 $0x0, s20;
	[sflag:s22] =	ssyncset.done $0x0  }
0xa0: {  	[sflag:s22] =	ssyncadd.s32 s4;
	_ =	sdelay $0x1  }
0xa1: {  	s23 =	simm.s32 $0x1B8B  }
0xa2: {  	_ =	swait.ge [sflag:s23], $0x1  }
0xa3: {  	[sflag:s23] =	ssyncset.done $0x0  }
0xa4: {  	s25 =	simm.s32 $0x1B8E;
	s24 =	sld [smem:$0x3FFE];
	[sflag:s23] =	ssyncadd.s32 $0xFFFFFFFF  }
0xa5: {  	s26 =	simm.s32 $execute0_lowered;
	[smem:$0x3FD2] =	sst s25  }
0xa6: {  	s5 =	sshll.u32 s26, $0x1;
	_ =	strace $0x80000046;
	[dreg:$0x1] =	wrdreg $0xFFFFFFFF  }
0xa7: {  	s28 =	simm.s32 $_size_execute0_lowered;
	s3 =	sadd.s32 s3, s5;
	[dreg:$0x0] =	wrdreg $0x0  }
0xa8: {  	s5 =	sshll.u32 s28, $0x1;
	[dreg:$0x2] =	wrdreg s3  }
0xa9: {  	[dreg:$0x3] =	wrdreg s5  }
0xaa: {  	[dreg:$0x4] =	wrdreg $0xC0  }
0xab: {  	_ =	task [dreg:s7], $0x5FFFF  }
0xac: {  	[dreg:$0x1] =	wrdreg $0xFFFFFFFF  }
0xad: {  	[dreg:$0x0] =	wrdreg $0x60  }
0xae: {  	[dreg:$0x2] =	wrdreg s2  }
0xaf: {  	[dreg:$0x3] =	wrdreg s24  }
0xb0: {  	[dreg:$0x4] =	wrdreg $0x9  }
0xb1: {  	_ =	task.clear_ibuf [dreg:s7], $0x5FFFF;
	_ =	strace $0x90000046  }
0xb2: {  	s29 =	simm.s32 $0x9;
	_ =	strace $0x80000048  }
0xb3: {  	_ =	swait.ge [sflag:s29], $0x1  }
0xb4: {  	[sflag:s29] =	ssyncadd.s32 $0xFFFFFFFF  }
0xb5: {  	_ =	strace $0x90000048  }
0xb6: {  	_ =	sfence  }
0xb7: {  	s30 =	sld [smem:$0x0];
	_ =	sdelay $0x2  }
0xb8: {  	s31 =	sshll.u32 s1, $0xD;
	s1 =	sshrl.u32 s1, $0x2  }
0xb9: {  	s3 =	sand.u32 $0x4000, s31;
	s1 =	sadd.s32 s1, s30  }
0xba: {  	s0 =	sor.u32 s3, s0;
	s1 =	sshll.u32 s1, $0x11  }
0xbb: {  	s0 =	sor.u32 s1, s0  }
0xbc: {  	s0 =	sadd.s32 $0x8F2B, s0  }
0xbd: {  	[sflag:s0] =	ssyncadd.remote.s32 $0x1  }
0xbe: {  	_ =	sfence.sel $0xFFFF  }
0xbf: {  	[dreg:$0x0] =	wrdreg $0xFFFFFFFF;
	(pc) =	sbr.abs _section_cstart, $3  }
0xc0: {  	[dreg:$0x1] =	wrdreg $0xFFFFFFFF  }
0xc1: {  	_ =	task.clear_ibuf [dreg:s7], $0x2FFFF;
	_ =	strace $0x9FFFFFFF  }
0xc2: {  	(tm) =	ssettm $0x7FFFFFFF  }
0xc3: {  	_ =	shalt  }
tec
execute0_lowered:
.L_overlay_start_1:
0x0: {  	(tag) =	ssettag $0x1  }
0x1: {  	s1 =	rddreg [dreg:$0x0]  }
0x2: {  	s0 =	rddreg [dreg:$0x1];
	s2 =	simm.s32 $0x0;
	s8 =	srdreg.scid  }
0x3: {  	s30 =	stileid.u32;
	s13 =	simm.s32 $0x2;
	s14 =	simm.s32 $0x80  }
0x4: {  	s15 =	simm.s32 $0x280;
	s16 =	simm.s32 $0x2280;
	s17 =	simm.s32 $0x100  }
0x5: {  	s18 =	simm.s32 $0x4280;
	s19 =	simm.s32 $0x180;
	s20 =	simm.s32 $0x6280  }
0x6: {  	s21 =	simm.s32 $0xA280;
	s22 =	simm.s32 $0x1;
	s23 =	simm.s32 $0xA500  }
0x7: {  	[smem:$0x7FF] =	sst s2;
	s3 =	sadd.s32 $0x3F800, s0;
	s29 =	sadd.s32 $0x2400, s0  }
0x8: {  	s6 =	sadd.s32 $0x84C00, s0;
	s7 =	sadd.s32 $0x7CC00, s0;
	s10 =	sand.u32 $0x1, s8  }
0x9: {  	s8 =	sadd.s32 $0x150C00, s0;
	s12 =	sshll.u32 s30, $0x1;
	s11 =	ssub.s32 $0x2, s10  }
0xa: {  	_ =	strace $0x80000047;
	[dreg:$0x3] =	wrdreg s3;
	s31 =	sshrl.u32 s11, $0x1  }
0xb: {  	s9 =	sadd.s32 $0x8CC00, s0;
	[dreg:$0x4] =	wrdreg s29;
	s0 =	ssub.s32 s11, s31  }
0xc: {  	v0 =	vimm.s32 $0x0;
	vm0 =	vcmask $0x300;
	s12 =	sor.u32 s10, s12;
	s3 =	simm.s32 $0x0;
	s0 =	smax.u32 s0, $0x1  }
0xd: {  	v0 =	vsel vm0, $0x3, v0;
	s10 =	sshll.u32 s12, $0x5;
	s11 =	smul.u32 $0xC40, s12;
	[dreg:$0x5] =	wrdreg s0  }
.LBB2_1:
0xe: {  	[dreg:$0x6] =	wrdreg s3;
	s28 =	simm.s32 $0x0  }
.LBB2_2:
0xf: {  	s0 =	sshll.u32 s28, $0x1  }
0x10: {  	s29 =	sadd.s32 s10, s0  }
0x11: {  	s0 =	sshll.u32 s29, $0x5  }
0x12: {  	s30 =	simm.s32 $0x0;
	s31 =	sadd.s32 s6, s0  }
0x13: {  	[tilespmem:s30], [sflag:$0x2] =	stream.linear.gather [hbm4b:s31+s30], $0x200, $0x38;
	[tilespmem:$0xAD00] =	vst v63  }
0x14: {  	_ =	swait.ge [sflag:s13], $0x200  }
0x15: {  	[sflag:s13] =	ssyncset.done $0x0  }
0x16: {  	[sflag:s13] =	ssyncadd.s32 $0xFFFFFE00  }
0x17: {  	[tilespmem:s15], [sflag:$0x1] =	stream.indirect.gather [hbm4b:s1+s14], $0x40, s30, s14, $0xb8;
	[tilespmem:$0xAD00] =	vst v63  }
0x18: {  	_ = 	snop  }
0x19: {  	[tilespmem:s16], [sflag:$0x1] =	stream.indirect.gather [hbm4b:s1+s14], $0x40, s14, s14, $0xb8;
	[tilespmem:$0xAD00] =	vst v63  }
0x1a: {  	_ = 	snop  }
0x1b: {  	[tilespmem:s18], [sflag:$0x1] =	stream.indirect.gather [hbm4b:s1+s14], $0x40, s17, s14, $0xb8;
	[tilespmem:$0xAD00] =	vst v63  }
0x1c: {  	_ = 	snop  }
0x1d: {  	[tilespmem:s20], [sflag:$0x1] =	stream.indirect.gather [hbm4b:s1+s14], $0x40, s19, s14, $0xb8;
	[tilespmem:$0xAD00] =	vst v63  }
0x1e: {  	s0 =	sadd.s32 s7, s0  }
0x1f: {  	[tilespmem:s21], [sflag:$0x2] =	stream.linear.gather [hbm4b:s0+s30], $0x200, $0x38;
	[tilespmem:$0xAD00] =	vst v63  }
0x20: {  	_ =	swait.ge [sflag:s13], $0x200  }
0x21: {  	[sflag:s13] =	ssyncset.done $0x0  }
0x22: {  	[sflag:s13] =	ssyncadd.s32 $0xFFFFFE00  }
0x23: {  	_ =	swait.ge [sflag:s22], $0x2000  }
0x24: {  	[sflag:s22] =	ssyncset.done $0x0  }
0x25: {  	[sflag:s22] =	ssyncadd.s32 $0xFFFFE000  }
0x26: {  	_ =	swait.ge [sflag:s22], $0x2000  }
0x27: {  	[sflag:s22] =	ssyncset.done $0x0  }
0x28: {  	[sflag:s22] =	ssyncadd.s32 $0xFFFFE000  }
0x29: {  	_ =	swait.ge [sflag:s22], $0x2000  }
0x2a: {  	[sflag:s22] =	ssyncset.done $0x0  }
0x2b: {  	[sflag:s22] =	ssyncadd.s32 $0xFFFFE000  }
0x2c: {  	_ =	swait.ge [sflag:s22], $0x2000  }
0x2d: {  	[sflag:s22] =	ssyncset.done $0x0  }
0x2e: {  	p1 =	por $0x1, $0x1;
	[sflag:s22] =	ssyncadd.s32 $0xFFFFE000  }
.LBB2_3:
0x2f: {  	s0 =	sshll.u32 s30, $0x6  }
0x30: {  	s0 =	sand.u32 $0x3FFFFFC0, s0  }
0x31: {  	s31 =	sadd.s32 $0x480, s0  }
0x32: {  	v4 =	vld [tilespmem:s31+$0x1C0]  }
0x33: {  	v5 =	vld [tilespmem:s31+$0x1D0]  }
0x34: {  	v6 =	vld [tilespmem:s31+$0x180]  }
0x35: {  	v8 =	vld [tilespmem:s31+$0x190]  }
0x36: {  	v9 =	vld [tilespmem:s31+$0x140]  }
0x37: {  	v10 =	vld [tilespmem:s31+$0x150]  }
0x38: {  	v11 =	vld [tilespmem:s31+$0x100]  }
0x39: {  	v15 =	vld [tilespmem:s31+$0x110]  }
0x3a: {  	v12 =	vld [tilespmem:s31+$0xC0]  }
0x3b: {  	s0 =	sadd.s32 $0x0, s30;
	v13 =	vld [tilespmem:s31+$0xD0]  }
0x3c: {  	v14 =	vld [tilespmem:s31+$0x80];
	s4 =	sadd.s32 $0xD, s0;
	s12 =	sadd.s32 $0xE, s0  }
0x3d: {  	v1 =	vmov s0;
	s26 =	sadd.s32 $0xF, s0;
	v16 =	vld [tilespmem:s31+$0x90];
	s24 =	sadd.s32 $0xA, s0;
	s25 =	sadd.s32 $0xB, s0;
	v2 =	vmov s4;
	v3 =	vmov s12  }
0x3e: {  	s3 =	sadd.s32 $0xC, s0;
	v21 =	vld [tilespmem:s31+$0x0];
	s5 =	sadd.s32 $0x6, s0;
	v7 =	vmov s26;
	v17 =	vmov s24;
	v18 =	vmov s25  }
0x3f: {  	v24 =	vld [tilespmem:s31+$0x10];
	s4 =	sadd.s32 $0x7, s0;
	s12 =	sadd.s32 $0x8, s0;
	s26 =	sadd.s32 $0x9, s0;
	v19 =	vmov s3;
	v30 =	vmov s5;
	v32 =	vshrl.u32 v1, $0x3  }
0x40: {  	v26 =	vld [tilespmem:s31+$0x20];
	s24 =	sadd.s32 $0x4, s0;
	s25 =	sadd.s32 $0x5, s0;
	v20 =	vmov s4;
	v25 =	vmov s12;
	v27 =	vmov s26  }
0x41: {  	v31 =	vld [tilespmem:s31+$0x30];
	v28 =	vmov s24;
	v29 =	vmov s25;
	v3 =	vshrl.u32 v3, $0x3  }
0x42: {  	v22 =	vld [tilespmem:s31+$0xFFFFFFC0];
	v7 =	vshrl.u32 v7, $0x3;
	v18 =	vshrl.u32 v18, $0x3;
	v19 =	vshrl.u32 v19, $0x3  }
0x43: {  	v23 =	vld [tilespmem:s31+$0xFFFFFFD0];
	s12 =	sadd.s32 $0x2, s0;
	s26 =	sadd.s32 $0x3, s0;
	v2 =	vshrl.u32 v2, $0x3;
	v17 =	vshrl.u32 v17, $0x3;
	v38 =	vshrl.u32 v30, $0x3  }
0x44: {  	v56 =	vld [tilespmem:s31+$0xFFFFFE00];
	s0 =	sadd.s32 $0x1, s0;
	v42 =	vshll.u32 v32, v0;
	v33 =	vmov s12;
	v34 =	vmov s26  }
0x45: {  	v57 =	vld [tilespmem:s31+$0xFFFFFE10];
	v35 =	vmov s0;
	v36 =	vshrl.u32 v25, $0x3;
	v37 =	vshrl.u32 v27, $0x3  }
0x46: {  	v1 =	vld [tilespmem:s31+$0xFFFFFFE0];
	v29 =	vshrl.u32 v29, $0x3;
	v20 =	vshrl.u32 v20, $0x3;
	v41 =	vshrl.u32 v28, $0x3  }
0x47: {  	v30 =	vld [tilespmem:s31+$0xFFFFFF50];
	v7 =	vshll.u32 v7, v0;
	v19 =	vshll.u32 v19, v0;
	v2 =	vshll.u32 v2, v0  }
0x48: {  	v32 =	vld [tilespmem:s31+$0xFFFFFF00];
	v3 =	vshll.u32 v3, v0;
	v17 =	vshll.u32 v17, v0;
	v18 =	vshll.u32 v18, v0  }
0x49: {  	v25 =	vld [tilespmem:s31+$0xFFFFFF80];
	v38 =	vshll.u32 v38, v0;
	v42 =	vbroadcast v42, $0x0;
	v39 =	vshrl.u32 v33, $0x3  }
0x4a: {  	v27 =	vld [tilespmem:s31+$0xFFFFFF90];
	v40 =	vshrl.u32 v34, $0x3;
	v43 =	vshrl.u32 v35, $0x3;
	v44 =	vshll.u32 v37, v0  }
0x4b: {  	v28 =	vld [tilespmem:s31+$0xFFFFFF40];
	v20 =	vshll.u32 v20, v0;
	v63 =	vshll.u32 v36, v0;
	v41 =	vshll.u32 v41, v0  }
0x4c: {  	v33 =	vld [tilespmem:s31+$0xFFFFFF10];
	v29 =	vshll.u32 v29, v0;
	v3 =	vadd.s32 $0x6, v3;
	v7 =	vadd.s32 $0x7, v7  }
0x4d: {  	v34 =	vld [tilespmem:s31+$0xFFFFFEC0];
	v18 =	vadd.s32 $0x3, v18;
	v19 =	vadd.s32 $0x4, v19;
	v2 =	vadd.s32 $0x5, v2  }
0x4e: {  	v35 =	vld [tilespmem:s31+$0xFFFFFED0];
	v17 =	vadd.s32 $0x2, v17;
	v50 =	vadd.s32 $0x6, v38;
	v45 =	vshll.u32 v43, v0  }
0x4f: {  	v36 =	vld [tilespmem:s31+$0xFFFFFE80];
	v46 =	vshll.u32 v39, v0;
	v47 =	vshll.u32 v40, v0;
	v48 =	vbroadcast v63, $0x0  }
0x50: {  	v37 =	vld [tilespmem:s31+$0xFFFFFE90];
	v49 =	vadd.s32 $0x1, v44;
	v7 =	vbroadcast v7, $0x0;
	v20 =	vadd.s32 $0x7, v20  }
0x51: {  	v38 =	vld [tilespmem:s31+$0xFFFFFE20];
	v3 =	vbroadcast v3, $0x0;
	v51 =	vadd.s32 $0x5, v29;
	v39 =	vbroadcast v19, $0x0  }
0x52: {  	v19 =	vbroadcast v2, $0x0;
	v2 =	vadd.s32 $0x4, v41;
	v40 =	vbroadcast v17, $0x0;
	v44 =	vld [tilespmem:s31+$0xFFFFFE30]  }
0x53: {  	v43 =	vbroadcast v18, $0x0;
	v54 =	vbroadcast v50, $0x0;
	v17 =	vadd.s32 $0x3, v47;
	v42 =	vld.idx.msk [tilespmem:v42+s21+$0x0], $0xffff  }
0x54: {  	v41 =	vld [tilespmem:s31+$0xFFFFFE40];
	v53 =	vbroadcast v20, $0x0;
	v29 =	vbroadcast v49, $0x0;
	v18 =	vadd.s32 $0x2, v46  }
0x55: {  	v51 =	vbroadcast v51, $0x0;
	v20 =	vadd.s32 $0x1, v45;
	v52 =	vbroadcast v2, $0x0;
	v55 =	vld.idx.msk [tilespmem:v48+s21+$0x0], $0xffff  }
0x56: {  	v49 =	vbroadcast v17, $0x0;
	v50 =	vbroadcast v18, $0x0;
	v18 =	vimm.f32 $0.0e+00;
	v2 =	vld.idx.msk [tilespmem:v7+s21+$0x0], $0xffff  }
0x57: {  	v17 =	vimm.f32 $0.0e+00;
	v48 =	vbroadcast v20, $0x0;
	v3 =	vld.idx.msk [tilespmem:v3+s21+$0x0], $0xffff;
	v20 =	vimm.f32 $0.0e+00  }
0x58: {  	p0 =	por p1, p1;
	s0 =	simm.s32 $0x10;
	v7 =	vld.idx.msk [tilespmem:v19+s21+$0x0], $0xffff;
	v19 =	vimm.f32 $0.0e+00;
	v47 =	vmul.f32 v56, v42;
	v46 =	vmul.f32 v57, v42  }
.LBB2_4:
0x59: {  	p1 =	sne.s32 s0, $0xF0;
	v56 =	vmul.f32 v38, v42;
	v57 =	vmul.f32 v44, v42;
	v38 =	vld.idx.msk [tilespmem:v39+s21+$0x0], $0xffff  }
0x5a: {  	v44 =	vmul.f32 v21, v55;
	v45 =	vmul.f32 v24, v55;
	v39 =	vld.idx.msk [tilespmem:v43+s21+$0x0], $0xffff  }
0x5b: {  	v42 =	vmul.f32 v26, v55;
	v43 =	vmul.f32 v31, v55;
	v40 =	vld.idx.msk [tilespmem:v40+s21+$0x0], $0xffff  }
0x5c: {  	v21 =	vmul.f32 v4, v2;
	v24 =	vmul.f32 v5, v2;
	v53 =	vld.idx.msk [tilespmem:v53+s21+$0x0], $0xffff  }
0x5d: {  	v26 =	vmul.f32 v6, v3;
	v31 =	vmul.f32 v8, v3;
	v54 =	vld.idx.msk [tilespmem:v54+s21+$0x0], $0xffff  }
0x5e: {  	v6 =	vmul.f32 v9, v7;
	v8 =	vmul.f32 v10, v7;
	v51 =	vld.idx.msk [tilespmem:v51+s21+$0x0], $0xffff  }
0x5f: {  	v4 =	vmul.f32 v11, v38;
	v5 =	vmul.f32 v15, v38;
	v52 =	vld.idx.msk [tilespmem:v52+s21+$0x0], $0xffff  }
0x60: {  	v9 =	vmul.f32 v12, v39;
	v10 =	vmul.f32 v13, v39;
	v15 =	vld.idx.msk [tilespmem:v49+s21+$0x0], $0xffff  }
0x61: {  	v11 =	vmul.f32 v14, v40;
	v12 =	vmul.f32 v16, v40;
	v13 =	vld.idx.msk [tilespmem:v50+s21+$0x0], $0xffff  }
0x62: {  	v16 =	vmul.f32 v22, v53;
	v22 =	vmul.f32 v23, v53;
	v14 =	vld.idx.msk [tilespmem:v48+s21+$0x0], $0xffff  }
0x63: {  	v25 =	vmul.f32 v25, v54;
	v27 =	vmul.f32 v27, v54;
	v23 =	vld [tilespmem:s31+$0xFFFFFE50]  }
0x64: {  	v28 =	vmul.f32 v28, v51;
	v30 =	vmul.f32 v30, v51;
	v48 =	vld [tilespmem:s31+$0xFFFFFE60]  }
0x65: {  	v32 =	vmul.f32 v32, v52;
	v33 =	vmul.f32 v33, v52;
	v49 =	vld [tilespmem:s31+$0xFFFFFE70]  }
0x66: {  	v34 =	vmul.f32 v34, v15;
	v35 =	vmul.f32 v35, v15;
	v50 =	vld [tilespmem:s31+$0xFFFFFEA0]  }
0x67: {  	v36 =	vmul.f32 v36, v13;
	v37 =	vmul.f32 v37, v13;
	v55 =	vld [tilespmem:s31+$0xFFFFFEB0]  }
0x68: {  	v41 =	vmul.f32 v41, v14;
	v23 =	vmul.f32 v23, v14;
	v58 =	vld [tilespmem:s31+$0xFFFFFEE0]  }
0x69: {  	v18 =	vadd.f32 v47, v18;
	v20 =	vadd.f32 v46, v20;
	v46 =	vmul.f32 v48, v14;
	v47 =	vld [tilespmem:s31+$0xFFFFFEF0]  }
0x6a: {  	v19 =	vadd.f32 v56, v19;
	v17 =	vadd.f32 v57, v17;
	v14 =	vmul.f32 v49, v14;
	v48 =	vld [tilespmem:s31+$0xFFFFFF20]  }
0x6b: {  	v18 =	vadd.f32 v41, v18;
	v20 =	vadd.f32 v23, v20;
	v23 =	vmul.f32 v50, v13;
	v41 =	vld [tilespmem:s31+$0xFFFFFF30]  }
0x6c: {  	v19 =	vadd.f32 v46, v19;
	v14 =	vadd.f32 v14, v17;
	v13 =	vmul.f32 v55, v13;
	v17 =	vld [tilespmem:s31+$0xFFFFFF60]  }
0x6d: {  	v18 =	vadd.f32 v36, v18;
	v20 =	vadd.f32 v37, v20;
	v36 =	vmul.f32 v58, v15;
	v37 =	vld [tilespmem:s31+$0xFFFFFF70]  }
0x6e: {  	v19 =	vadd.f32 v23, v19;
	v13 =	vadd.f32 v13, v14;
	v14 =	vmul.f32 v47, v15;
	v15 =	vld [tilespmem:s31+$0xFFFFFFA0]  }
0x6f: {  	v18 =	vadd.f32 v34, v18;
	v20 =	vadd.f32 v35, v20;
	v23 =	vmul.f32 v48, v52;
	v34 =	vld [tilespmem:s31+$0xFFFFFFB0]  }
0x70: {  	v19 =	vadd.f32 v36, v19;
	v13 =	vadd.f32 v14, v13;
	v14 =	vmul.f32 v41, v52;
	v35 =	vld [tilespmem:s31+$0xFFFFFFF0]  }
0x71: {  	v18 =	vadd.f32 v32, v18;
	v20 =	vadd.f32 v33, v20;
	v17 =	vmul.f32 v17, v51;
	v29 =	vld.idx.msk [tilespmem:v29+s21+$0x0], $0xffff  }
0x72: {  	v19 =	vadd.f32 v23, v19;
	v13 =	vadd.f32 v14, v13;
	v14 =	vmul.f32 v37, v51;
	v23 =	vld [tilespmem:s31+$0x40]  }
0x73: {  	v18 =	vadd.f32 v28, v18;
	v20 =	vadd.f32 v30, v20;
	v15 =	vmul.f32 v15, v54;
	v28 =	vld [tilespmem:s31+$0x50]  }
0x74: {  	v17 =	vadd.f32 v17, v19;
	v13 =	vadd.f32 v14, v13;
	v14 =	vmul.f32 v34, v54;
	v19 =	vld [tilespmem:s31+$0x60]  }
0x75: {  	v1 =	vmul.f32 v1, v53;
	v18 =	vadd.f32 v25, v18;
	v20 =	vadd.f32 v27, v20;
	v25 =	vld [tilespmem:s31+$0x70]  }
0x76: {  	v15 =	vadd.f32 v15, v17;
	v13 =	vadd.f32 v14, v13;
	v14 =	vmul.f32 v35, v53;
	v17 =	vld [tilespmem:s31+$0xA0]  }
0x77: {  	v16 =	vadd.f32 v16, v18;
	v18 =	vadd.f32 v22, v20;
	v20 =	vmul.f32 v23, v29;
	v22 =	vld [tilespmem:s31+$0xB0]  }
0x78: {  	v1 =	vadd.f32 v1, v15;
	v13 =	vadd.f32 v14, v13;
	v14 =	vmul.f32 v28, v29;
	v15 =	vld [tilespmem:s31+$0xE0]  }
0x79: {  	v16 =	vadd.f32 v44, v16;
	v18 =	vadd.f32 v45, v18;
	v19 =	vmul.f32 v19, v29;
	v23 =	vld [tilespmem:s31+$0xF0]  }
0x7a: {  	v1 =	vadd.f32 v42, v1;
	v13 =	vadd.f32 v43, v13;
	v25 =	vmul.f32 v25, v29;
	v27 =	vld [tilespmem:s31+$0x120]  }
0x7b: {  	v16 =	vadd.f32 v20, v16;
	v14 =	vadd.f32 v14, v18;
	v17 =	vmul.f32 v17, v40;
	v18 =	vld [tilespmem:s31+$0x130]  }
0x7c: {  	v1 =	vadd.f32 v19, v1;
	v13 =	vadd.f32 v25, v13;
	v19 =	vmul.f32 v22, v40;
	v20 =	vld [tilespmem:s31+$0x160]  }
0x7d: {  	v11 =	vadd.f32 v11, v16;
	v12 =	vadd.f32 v12, v14;
	v14 =	vmul.f32 v15, v39;
	v15 =	vld [tilespmem:s31+$0x170]  }
0x7e: {  	v1 =	vadd.f32 v17, v1;
	v13 =	vadd.f32 v19, v13;
	v16 =	vmul.f32 v23, v39;
	v17 =	vld [tilespmem:s31+$0x1A0]  }
0x7f: {  	v9 =	vadd.f32 v9, v11;
	v10 =	vadd.f32 v10, v12;
	v11 =	vmul.f32 v27, v38;
	v12 =	vld [tilespmem:s31+$0x1B0]  }
0x80: {  	v1 =	vadd.f32 v14, v1;
	v13 =	vadd.f32 v16, v13;
	v14 =	vmul.f32 v18, v38;
	v16 =	vld [tilespmem:s31+$0x1E0]  }
0x81: {  	v9 =	vadd.f32 v4, v9;
	v10 =	vadd.f32 v5, v10;
	v18 =	vmul.f32 v20, v7;
	v19 =	vld [tilespmem:s31+$0x1F0];
	s31 =	sadd.s32 $0x400, s31  }
0x82: {  	v1 =	vadd.f32 v11, v1;
	v4 =	vld [tilespmem:s31+$0x1C0];
	v11 =	vadd.f32 v14, v13;
	v7 =	vmul.f32 v15, v7  }
0x83: {  	v9 =	vadd.f32 v6, v9;
	v10 =	vadd.f32 v8, v10;
	v5 =	vld [tilespmem:s31+$0x1D0];
	v13 =	vmul.f32 v17, v3  }
0x84: {  	v1 =	vadd.f32 v18, v1;
	v6 =	vld [tilespmem:s31+$0x180];
	v7 =	vadd.f32 v7, v11;
	v3 =	vmul.f32 v12, v3  }
0x85: {  	v11 =	vadd.f32 v26, v9;
	v12 =	vadd.f32 v31, v10;
	v8 =	vld [tilespmem:s31+$0x190];
	v14 =	vmul.f32 v16, v2  }
0x86: {  	v1 =	vadd.f32 v13, v1;
	v9 =	vld [tilespmem:s31+$0x140];
	v3 =	vadd.f32 v3, v7;
	v2 =	vmul.f32 v19, v2  }
0x87: {  	v18 =	vadd.f32 v21, v11;
	v20 =	vadd.f32 v24, v12;
	v10 =	vld [tilespmem:s31+$0x150]  }
0x88: {  	v19 =	vadd.f32 v14, v1;
	v11 =	vld [tilespmem:s31+$0x100];
	v17 =	vadd.f32 v2, v3  }
0x89: {  	v15 =	vld [tilespmem:s31+$0x110]  }
0x8a: {  	v12 =	vld [tilespmem:s31+$0xC0]  }
0x8b: {  	v13 =	vld [tilespmem:s31+$0xD0]  }
0x8c: {  	s3 =	sadd.s32 s0, s30;
	v14 =	vld [tilespmem:s31+$0x80]  }
0x8d: {  	s4 =	sadd.s32 $0xD, s3;
	s12 =	sadd.s32 $0xE, s3;
	s24 =	sadd.s32 $0xF, s3;
	v1 =	vmov s3;
	v16 =	vld [tilespmem:s31+$0x90]  }
0x8e: {  	s25 =	sadd.s32 $0xA, s3;
	s26 =	sadd.s32 $0xB, s3;
	s5 =	sadd.s32 $0xC, s3;
	v7 =	vmov s24;
	v2 =	vmov s4;
	v3 =	vmov s12;
	v21 =	vld [tilespmem:s31+$0x0]  }
0x8f: {  	v28 =	vmov s5;
	v25 =	vmov s26;
	v27 =	vmov s25;
	s24 =	sadd.s32 $0x9, s3;
	s4 =	sadd.s32 $0x7, s3;
	s12 =	sadd.s32 $0x8, s3;
	v24 =	vld [tilespmem:s31+$0x10]  }
0x90: {  	s5 =	sadd.s32 $0x4, s3;
	s26 =	sadd.s32 $0x6, s3;
	s25 =	sadd.s32 $0x5, s3;
	v32 =	vmov s24;
	v29 =	vmov s4;
	v30 =	vmov s12;
	v26 =	vld [tilespmem:s31+$0x20]  }
0x91: {  	v33 =	vmov s5;
	v35 =	vmov s26;
	v34 =	vmov s25;
	s4 =	sadd.s32 $0x2, s3;
	s12 =	sadd.s32 $0x3, s3;
	v31 =	vld [tilespmem:s31+$0x30]  }
0x92: {  	v36 =	vshrl.u32 v1, $0x3;
	s3 =	sadd.s32 $0x1, s3;
	v37 =	vmov s4;
	v38 =	vmov s12;
	v22 =	vld [tilespmem:s31+$0xFFFFFFC0]  }
0x93: {  	v7 =	vshrl.u32 v7, $0x3;
	v3 =	vshrl.u32 v3, $0x3;
	v39 =	vmov s3;
	v23 =	vld [tilespmem:s31+$0xFFFFFFD0]  }
0x94: {  	v41 =	vshrl.u32 v28, $0x3;
	v40 =	vshrl.u32 v25, $0x3;
	v2 =	vshrl.u32 v2, $0x3;
	v1 =	vld [tilespmem:s31+$0xFFFFFFE0]  }
0x95: {  	v44 =	vshrl.u32 v27, $0x3;
	v43 =	vshrl.u32 v32, $0x3;
	v42 =	vshrl.u32 v30, $0x3;
	v25 =	vld [tilespmem:s31+$0xFFFFFF80]  }
0x96: {  	v35 =	vshrl.u32 v35, $0x3;
	v45 =	vshrl.u32 v34, $0x3;
	v29 =	vshrl.u32 v29, $0x3;
	v27 =	vld [tilespmem:s31+$0xFFFFFF90]  }
0x97: {  	v46 =	vshrl.u32 v33, $0x3;
	v37 =	vshrl.u32 v37, $0x3;
	v38 =	vshrl.u32 v38, $0x3;
	v28 =	vld [tilespmem:s31+$0xFFFFFF40]  }
0x98: {  	v7 =	vshll.u32 v7, v0;
	v36 =	vshll.u32 v36, v0;
	v39 =	vshrl.u32 v39, $0x3;
	v30 =	vld [tilespmem:s31+$0xFFFFFF50]  }
0x99: {  	v41 =	vshll.u32 v41, v0;
	v2 =	vshll.u32 v2, v0;
	v3 =	vshll.u32 v3, v0;
	v32 =	vld [tilespmem:s31+$0xFFFFFF00]  }
0x9a: {  	v40 =	vshll.u32 v40, v0;
	v44 =	vshll.u32 v44, v0;
	v43 =	vshll.u32 v43, v0;
	v33 =	vld [tilespmem:s31+$0xFFFFFF10]  }
0x9b: {  	v47 =	vshll.u32 v35, v0;
	v29 =	vshll.u32 v29, v0;
	v42 =	vshll.u32 v42, v0;
	v34 =	vld [tilespmem:s31+$0xFFFFFEC0]  }
0x9c: {  	v46 =	vshll.u32 v46, v0;
	v45 =	vshll.u32 v45, v0;
	v48 =	vbroadcast v36, $0x0;
	v35 =	vld [tilespmem:s31+$0xFFFFFED0]  }
0x9d: {  	v49 =	vshll.u32 v39, v0;
	v50 =	vshll.u32 v37, v0;
	v51 =	vshll.u32 v38, v0;
	v36 =	vld [tilespmem:s31+$0xFFFFFE80]  }
0x9e: {  	v7 =	vadd.s32 $0x7, v7;
	v3 =	vadd.s32 $0x6, v3;
	v52 =	vbroadcast v42, $0x0;
	v37 =	vld [tilespmem:s31+$0xFFFFFE90]  }
0x9f: {  	v53 =	vadd.s32 $0x3, v40;
	v2 =	vadd.s32 $0x5, v2;
	v39 =	vadd.s32 $0x4, v41;
	v56 =	vld [tilespmem:s31+$0xFFFFFE00]  }
0xa0: {  	v40 =	vadd.s32 $0x2, v44;
	v7 =	vbroadcast v7, $0x0;
	v41 =	vadd.s32 $0x1, v43;
	v57 =	vld [tilespmem:s31+$0xFFFFFE10]  }
0xa1: {  	v47 =	vadd.s32 $0x6, v47;
	v29 =	vadd.s32 $0x7, v29;
	v3 =	vbroadcast v3, $0x0;
	v38 =	vld [tilespmem:s31+$0xFFFFFE20]  }
0xa2: {  	v45 =	vadd.s32 $0x5, v45;
	v58 =	vbroadcast v2, $0x0;
	v39 =	vbroadcast v39, $0x0;
	v42 =	vld.idx.msk [tilespmem:v48+s21+$0x0], $0xffff  }
0xa3: {  	v40 =	vbroadcast v40, $0x0;
	v2 =	vadd.s32 $0x4, v46;
	v43 =	vbroadcast v53, $0x0;
	v44 =	vld [tilespmem:s31+$0xFFFFFE30]  }
.Ltmp0:
0xa4: {  	v46 =	vadd.s32 $0x3, v51;
	v53 =	vbroadcast v29, $0x0;
	v29 =	vbroadcast v41, $0x0;
	v55 =	vld.idx.msk [tilespmem:v52+s21+$0x0], $0xffff;
	(pc) =	sbr.rel @p1 .LBB2_4-.Ltmp0, $4  }
0xa5: {  	v54 =	vbroadcast v47, $0x0;
	v50 =	vadd.s32 $0x2, v50;
	v51 =	vbroadcast v45, $0x0;
	v41 =	vld [tilespmem:s31+$0xFFFFFE40]  }
0xa6: {  	v45 =	vadd.s32 $0x1, v49;
	v49 =	vbroadcast v46, $0x0;
	v52 =	vbroadcast v2, $0x0;
	v2 =	vld.idx.msk [tilespmem:v7+s21+$0x0], $0xffff  }
0xa7: {  	v50 =	vbroadcast v50, $0x0;
	v48 =	vbroadcast v45, $0x0;
	v3 =	vld.idx.msk [tilespmem:v3+s21+$0x0], $0xffff  }
0xa8: {  	s0 =	sadd.s32 $0x10, s0;
	v47 =	vmul.f32 v56, v42;
	v46 =	vmul.f32 v57, v42;
	v7 =	vld.idx.msk [tilespmem:v58+s21+$0x0], $0xffff  }
0xa9: {  	_ =	sdelay $0x3  }
0xaa: {  	v45 =	vmul.f32 v38, v42;
	v38 =	vld.idx.msk [tilespmem:v39+s21+$0x0], $0xffff  }
0xab: {  	v42 =	vmul.f32 v44, v42;
	v44 =	vmul.f32 v24, v55;
	v24 =	vld.idx.msk [tilespmem:v43+s21+$0x0], $0xffff  }
0xac: {  	v40 =	vld.idx.msk [tilespmem:v40+s21+$0x0], $0xffff  }
0xad: {  	v39 =	vmul.f32 v21, v55;
	v43 =	vld.idx.msk [tilespmem:v53+s21+$0x0], $0xffff  }
0xae: {  	v26 =	vmul.f32 v26, v55;
	v31 =	vmul.f32 v31, v55;
	v53 =	vld.idx.msk [tilespmem:v54+s21+$0x0], $0xffff  }
0xaf: {  	v51 =	vld.idx.msk [tilespmem:v51+s21+$0x0], $0xffff;
	v21 =	vmul.f32 v4, v2;
	v4 =	vmul.f32 v5, v2  }
0xb0: {  	v49 =	vld.idx.msk [tilespmem:v49+s21+$0x0], $0xffff;
	v6 =	vmul.f32 v6, v3;
	v5 =	vmul.f32 v8, v3  }
0xb1: {  	v50 =	vld.idx.msk [tilespmem:v50+s21+$0x0], $0xffff;
	v9 =	vmul.f32 v9, v7;
	v8 =	vmul.f32 v10, v7  }
0xb2: {  	v48 =	vld.idx.msk [tilespmem:v48+s21+$0x0], $0xffff;
	v11 =	vmul.f32 v11, v38;
	v15 =	vmul.f32 v15, v38  }
0xb3: {  	v63 =	vld [tilespmem:s31+$0xFFFFFE50];
	v12 =	vmul.f32 v12, v24;
	v13 =	vmul.f32 v13, v24  }
0xb4: {  	v60 =	vld [tilespmem:s31+$0xFFFFFE60];
	v14 =	vmul.f32 v14, v40;
	v16 =	vmul.f32 v16, v40  }
0xb5: {  	v61 =	vld [tilespmem:s31+$0xFFFFFE70];
	v22 =	vmul.f32 v22, v43;
	v23 =	vmul.f32 v23, v43  }
0xb6: {  	v56 =	vld [tilespmem:s31+$0xFFFFFEA0];
	v25 =	vmul.f32 v25, v53;
	v27 =	vmul.f32 v27, v53  }
0xb7: {  	v57 =	vld [tilespmem:s31+$0xFFFFFEB0];
	v18 =	vadd.f32 v47, v18;
	v28 =	vmul.f32 v28, v51;
	v30 =	vmul.f32 v30, v51  }
0xb8: {  	v54 =	vld [tilespmem:s31+$0xFFFFFEF0];
	v20 =	vadd.f32 v46, v20;
	v34 =	vmul.f32 v34, v49;
	v35 =	vmul.f32 v35, v49  }
0xb9: {  	v19 =	vadd.f32 v45, v19;
	v10 =	vld.idx.msk [tilespmem:v52+s21+$0x0], $0xffff;
	v36 =	vmul.f32 v36, v50;
	v41 =	vmul.f32 v41, v48  }
0xba: {  	v17 =	vadd.f32 v42, v17;
	v52 =	vld [tilespmem:s31+$0xFFFFFEE0];
	v37 =	vmul.f32 v37, v50;
	v62 =	vmul.f32 v63, v48  }
0xbb: {  	v63 =	vmul.f32 v60, v48;
	v55 =	vmul.f32 v61, v48;
	v18 =	vadd.f32 v41, v18  }
0xbc: {  	v58 =	vld [tilespmem:s31+$0xFFFFFF20];
	v59 =	vmul.f32 v56, v50;
	v61 =	vmul.f32 v57, v50;
	v20 =	vadd.f32 v62, v20  }
0xbd: {  	v60 =	vld [tilespmem:s31+$0xFFFFFF30];
	v50 =	vmul.f32 v54, v49;
	v19 =	vadd.f32 v63, v19;
	v18 =	vadd.f32 v36, v18  }
0xbe: {  	v17 =	vadd.f32 v55, v17;
	v62 =	vld [tilespmem:s31+$0xFFFFFF60];
	v32 =	vmul.f32 v32, v10;
	v20 =	vadd.f32 v37, v20  }
0xbf: {  	v48 =	vld [tilespmem:s31+$0xFFFFFF70];
	v63 =	vmul.f32 v52, v49;
	v19 =	vadd.f32 v59, v19;
	v18 =	vadd.f32 v34, v18  }
0xc0: {  	v33 =	vmul.f32 v33, v10;
	v17 =	vadd.f32 v61, v17;
	v52 =	vld [tilespmem:s31+$0xFFFFFFA0];
	v20 =	vadd.f32 v35, v20  }
0xc1: {  	v55 =	vld [tilespmem:s31+$0xFFFFFFB0];
	v54 =	vmul.f32 v58, v10;
	v19 =	vadd.f32 v63, v19;
	v18 =	vadd.f32 v32, v18  }
0xc2: {  	v29 =	vld.idx.msk [tilespmem:v29+s21+$0x0], $0xffff;
	v10 =	vmul.f32 v60, v10;
	v17 =	vadd.f32 v50, v17;
	v20 =	vadd.f32 v33, v20  }
0xc3: {  	v56 =	vld [tilespmem:s31+$0xFFFFFFF0];
	v57 =	vmul.f32 v62, v51;
	v19 =	vadd.f32 v54, v19;
	v18 =	vadd.f32 v28, v18  }
0xc4: {  	v59 =	vld [tilespmem:s31+$0x40];
	v58 =	vmul.f32 v48, v51;
	v10 =	vadd.f32 v10, v17;
	v20 =	vadd.f32 v30, v20  }
0xc5: {  	v61 =	vld [tilespmem:s31+$0x50];
	v60 =	vmul.f32 v52, v53;
	v19 =	vadd.f32 v57, v19;
	v18 =	vadd.f32 v25, v18  }
0xc6: {  	v63 =	vld [tilespmem:s31+$0x60];
	v62 =	vmul.f32 v55, v53;
	v10 =	vadd.f32 v58, v10;
	v20 =	vadd.f32 v27, v20  }
0xc7: {  	v1 =	vmul.f32 v1, v43;
	v33 =	vld [tilespmem:s31+$0x70];
	v19 =	vadd.f32 v60, v19;
	v18 =	vadd.f32 v22, v18  }
0xc8: {  	v36 =	vld [tilespmem:s31+$0xA0];
	v35 =	vmul.f32 v56, v43;
	v10 =	vadd.f32 v62, v10;
	v20 =	vadd.f32 v23, v20  }
0xc9: {  	v41 =	vld [tilespmem:s31+$0xB0];
	v37 =	vmul.f32 v59, v29;
	v1 =	vadd.f32 v1, v19;
	v18 =	vadd.f32 v39, v18  }
0xca: {  	v43 =	vld [tilespmem:s31+$0xE0];
	v42 =	vmul.f32 v61, v29;
	v10 =	vadd.f32 v35, v10;
	v20 =	vadd.f32 v44, v20  }
0xcb: {  	v25 =	vmul.f32 v63, v29;
	v44 =	vld [tilespmem:s31+$0xF0];
	v1 =	vadd.f32 v26, v1;
	v18 =	vadd.f32 v37, v18  }
0xcc: {  	v46 =	vld [tilespmem:s31+$0x120];
	v45 =	vmul.f32 v33, v29;
	v10 =	vadd.f32 v31, v10;
	v17 =	vadd.f32 v42, v20  }
0xcd: {  	v48 =	vld [tilespmem:s31+$0x130];
	v47 =	vmul.f32 v36, v40;
	v1 =	vadd.f32 v25, v1;
	v14 =	vadd.f32 v14, v18  }
0xce: {  	v50 =	vld [tilespmem:s31+$0x160];
	v49 =	vmul.f32 v41, v40;
	v10 =	vadd.f32 v45, v10;
	v16 =	vadd.f32 v16, v17  }
0xcf: {  	v52 =	vld [tilespmem:s31+$0x170];
	v51 =	vmul.f32 v43, v24;
	v1 =	vadd.f32 v47, v1;
	v12 =	vadd.f32 v12, v14  }
0xd0: {  	v54 =	vld [tilespmem:s31+$0x1A0];
	v10 =	vadd.f32 v49, v10;
	v53 =	vmul.f32 v44, v24;
	v13 =	vadd.f32 v13, v16  }
0xd1: {  	v56 =	vld [tilespmem:s31+$0x1B0];
	v55 =	vmul.f32 v46, v38;
	v1 =	vadd.f32 v51, v1;
	v11 =	vadd.f32 v11, v12  }
0xd2: {  	v57 =	vmul.f32 v48, v38;
	v58 =	vld [tilespmem:s31+$0x1E0];
	v10 =	vadd.f32 v53, v10;
	v13 =	vadd.f32 v15, v13  }
0xd3: {  	v59 =	vmul.f32 v50, v7;
	v60 =	vld [tilespmem:s31+$0x1F0];
	v1 =	vadd.f32 v55, v1;
	v9 =	vadd.f32 v9, v11  }
0xd4: {  	v61 =	vmul.f32 v52, v7;
	v10 =	vadd.f32 v57, v10;
	v8 =	vadd.f32 v8, v13  }
0xd5: {  	v62 =	vmul.f32 v54, v3;
	v1 =	vadd.f32 v59, v1;
	v6 =	vadd.f32 v6, v9  }
0xd6: {  	v3 =	vmul.f32 v56, v3;
	v7 =	vadd.f32 v61, v10;
	v5 =	vadd.f32 v5, v8  }
0xd7: {  	v63 =	vmul.f32 v58, v2;
	v1 =	vadd.f32 v62, v1;
	v6 =	vadd.f32 v21, v6  }
.Ltmp1:
0xd8: {  	s0 =	sshra.s32 s30, $0x2;
	v2 =	vmul.f32 v60, v2;
	v3 =	vadd.f32 v3, v7;
	v4 =	vadd.f32 v4, v5;
	(pc) =	sbr.rel @p0 .LBB2_3-.Ltmp1, $4  }
0xd9: {  	v1 =	vadd.f32 v63, v1;
	[tilespmem:s0+$0xA500] =	vst v6  }
0xda: {  	v2 =	vadd.f32 v2, v3;
	[tilespmem:s0+$0xA510] =	vst v4  }
0xdb: {  	[tilespmem:s0+$0xA520] =	vst v1  }
0xdc: {  	s30 =	simm.s32 $0x100;
	p1 =	por $0x0, $0x0;
	[tilespmem:s0+$0xA530] =	vst v2  }
0xdd: {  	s28 =	sadd.s32 $0x1, s28  }
0xde: {  	s0 =	sshll.u32 s29, $0x3;
	p0 =	sne.s32 s28, $0x10  }
.Ltmp2:
0xdf: {  	s29 =	simm.s32 $0x0;
	s0 =	sadd.s32 s8, s0;
	(pc) =	sbr.rel @p0 .LBB2_2-.Ltmp2, $4  }
0xe0: {  	[hbm4b:s0+s29] =	stream.linear.scatter [tilespmem:s23], [sflag:$0x2], $0x80, $0x38;
	[tilespmem:$0xAD00] =	vst v63  }
0xe1: {  	_ =	swait.ge [sflag:s13], $0x80  }
0xe2: {  	[sflag:s13] =	ssyncset.done $0x0  }
0xe3: {  	[sflag:s13] =	ssyncadd.s32 $0xFFFFFF80  }
.LBB2_7:
0xe4: {  	s0 =	sshll.u32 s29, $0x5  }
0xe5: {  	s0 =	sadd.s32 s11, s0  }
0xe6: {  	s3 =	smul.u32 $0x14, s0;
	_ =	sdelay $0x1  }
0xe7: {  	s4 =	rddreg [dreg:$0x3];
	s3 =	sshrl.u32 s3, $0x3  }
0xe8: {  	s4 =	sadd.s32 s4, s3  }
0xe9: {  	[tilespmem:s2], [sflag:$0x2] =	stream.linear.gather [hbm4b:s4+s2], $0x280, $0x38;
	[tilespmem:$0xAD00] =	vst v63  }
0xea: {  	_ =	swait.ge [sflag:s13], $0x280  }
0xeb: {  	[sflag:s13] =	ssyncset.done $0x0  }
0xec: {  	[sflag:s13] =	ssyncadd.s32 $0xFFFFFD80  }
0xed: {  	[tilespmem:s15], [sflag:$0x1] =	stream.indirect.gather [hbm4b:s1+s14], $0x40, s2, s14, $0xb8;
	[tilespmem:$0xAD00] =	vst v63  }
0xee: {  	_ = 	snop  }
0xef: {  	[tilespmem:s16], [sflag:$0x1] =	stream.indirect.gather [hbm4b:s1+s14], $0x40, s14, s14, $0xb8;
	[tilespmem:$0xAD00] =	vst v63  }
0xf0: {  	_ = 	snop  }
0xf1: {  	[tilespmem:s18], [sflag:$0x1] =	stream.indirect.gather [hbm4b:s1+s14], $0x40, s17, s14, $0xb8;
	[tilespmem:$0xAD00] =	vst v63  }
0xf2: {  	_ = 	snop  }
0xf3: {  	[tilespmem:s20], [sflag:$0x1] =	stream.indirect.gather [hbm4b:s1+s14], $0x40, s19, s14, $0xb8;
	[tilespmem:$0xAD00] =	vst v63  }
0xf4: {  	s25 =	simm.s32 $0x200;
	s5 =	simm.s32 $0x8280;
	s26 =	rddreg [dreg:$0x4]  }
0xf5: {  	[tilespmem:s5], [sflag:$0x1] =	stream.indirect.gather [hbm4b:s1+s14], $0x40, s25, s14, $0xb8;
	[tilespmem:$0xAD00] =	vst v63  }
0xf6: {  	s3 =	sadd.s32 s26, s3  }
0xf7: {  	[tilespmem:s21], [sflag:$0x2] =	stream.linear.gather [hbm4b:s3+s2], $0x280, $0x38;
	[tilespmem:$0xAD00] =	vst v63  }
0xf8: {  	_ =	swait.ge [sflag:s13], $0x280  }
0xf9: {  	[sflag:s13] =	ssyncset.done $0x0  }
0xfa: {  	[sflag:s13] =	ssyncadd.s32 $0xFFFFFD80  }
0xfb: {  	_ =	swait.ge [sflag:s22], $0x2000  }
0xfc: {  	[sflag:s22] =	ssyncset.done $0x0  }
0xfd: {  	[sflag:s22] =	ssyncadd.s32 $0xFFFFE000  }
0xfe: {  	_ =	swait.ge [sflag:s22], $0x2000  }
0xff: {  	[sflag:s22] =	ssyncset.done $0x0  }
0x100: {  	[sflag:s22] =	ssyncadd.s32 $0xFFFFE000  }
0x101: {  	_ =	swait.ge [sflag:s22], $0x2000  }
0x102: {  	[sflag:s22] =	ssyncset.done $0x0  }
0x103: {  	[sflag:s22] =	ssyncadd.s32 $0xFFFFE000  }
0x104: {  	_ =	swait.ge [sflag:s22], $0x2000  }
0x105: {  	[sflag:s22] =	ssyncset.done $0x0  }
0x106: {  	[sflag:s22] =	ssyncadd.s32 $0xFFFFE000  }
0x107: {  	_ =	swait.ge [sflag:s22], $0x2000  }
0x108: {  	s28 =	simm.s32 $0x13;
	[sflag:s22] =	ssyncset.done $0x0  }
0x109: {  	s30 =	simm.s32 $0xA520;
	s31 =	simm.s32 $0x500;
	[sflag:s22] =	ssyncadd.s32 $0xFFFFE000  }
.LBB2_8:
0x10a: {  	v3 =	vld [tilespmem:s31+$0xFFFFFD80]  }
0x10b: {  	v4 =	vld [tilespmem:s31+$0xFFFFFD90]  }
0x10c: {  	v6 =	vld [tilespmem:s31+$0xFFFFFDA0]  }
0x10d: {  	v7 =	vld [tilespmem:s31+$0xFFFFFDB0]  }
0x10e: {  	v8 =	vld [tilespmem:s31+$0xFFFFFDC0]  }
0x10f: {  	v9 =	vld [tilespmem:s31+$0xFFFFFDD0]  }
0x110: {  	v10 =	vld [tilespmem:s31+$0xFFFFFDE0]  }
0x111: {  	v11 =	vld [tilespmem:s31+$0xFFFFFDF0]  }
0x112: {  	v13 =	vld [tilespmem:s31+$0xFFFFFE00]  }
0x113: {  	v14 =	vld [tilespmem:s31+$0xFFFFFE10]  }
0x114: {  	v16 =	vld [tilespmem:s31+$0xFFFFFE20]  }
0x115: {  	v17 =	vld [tilespmem:s31+$0xFFFFFE30]  }
0x116: {  	v18 =	vld [tilespmem:s31+$0xFFFFFE40]  }
0x117: {  	v19 =	vld [tilespmem:s31+$0xFFFFFE50]  }
0x118: {  	v21 =	vld [tilespmem:s31+$0xFFFFFE60]  }
0x119: {  	v22 =	vld [tilespmem:s31+$0xFFFFFE70]  }
0x11a: {  	v23 =	vld [tilespmem:s31+$0xFFFFFE80]  }
0x11b: {  	v24 =	vld [tilespmem:s31+$0xFFFFFE90]  }
0x11c: {  	v26 =	vld [tilespmem:s31+$0xFFFFFEA0]  }
0x11d: {  	v27 =	vld [tilespmem:s31+$0xFFFFFEB0]  }
0x11e: {  	v28 =	vld [tilespmem:s31+$0xFFFFFEC0]  }
0x11f: {  	v29 =	vld [tilespmem:s31+$0xFFFFFED0]  }
0x120: {  	v30 =	vld [tilespmem:s31+$0xFFFFFEE0]  }
0x121: {  	v31 =	vld [tilespmem:s31+$0xFFFFFEF0]  }
0x122: {  	v33 =	vld [tilespmem:s31+$0xFFFFFF00]  }
0x123: {  	v34 =	vld [tilespmem:s31+$0xFFFFFF10]  }
0x124: {  	v36 =	vld [tilespmem:s31+$0xFFFFFF20]  }
0x125: {  	v37 =	vld [tilespmem:s31+$0xFFFFFF30]  }
0x126: {  	s3 =	sadd.s32 $0xFFFFFFED, s28;
	s4 =	sadd.s32 $0xFFFFFFEE, s28;
	v38 =	vld [tilespmem:s31+$0xFFFFFF40]  }
0x127: {  	s5 =	sadd.s32 $0xFFFFFFEF, s28;
	s12 =	sadd.s32 $0xFFFFFFF0, s28;
	v39 =	vld [tilespmem:s31+$0xFFFFFF50];
	v1 =	vmov s3;
	v2 =	vmov s4  }
0x128: {  	v41 =	vld [tilespmem:s31+$0xFFFFFF60];
	v5 =	vmov s5;
	v12 =	vmov s12;
	s4 =	sadd.s32 $0xFFFFFFF4, s28;
	v1 =	vand.u32 $0xFFFFFFFC, v1  }
0x129: {  	s24 =	sadd.s32 $0xFFFFFFF1, s28;
	v42 =	vld [tilespmem:s31+$0xFFFFFF70];
	v2 =	vand.u32 $0xFFFFFFFD, v2;
	v32 =	vmov s4;
	v1 =	vbroadcast v1, $0x0  }
0x12a: {  	s25 =	sadd.s32 $0xFFFFFFF2, s28;
	v43 =	vld [tilespmem:s31+$0xFFFFFF80];
	v15 =	vmov s24;
	v5 =	vand.u32 $0xFFFFFFFE, v5;
	v2 =	vbroadcast v2, $0x0  }
0x12b: {  	s26 =	sadd.s32 $0xFFFFFFF3, s28;
	v44 =	vld [tilespmem:s31+$0xFFFFFF90];
	v20 =	vmov s25;
	v15 =	vand.u32 $0xFFFFFFFC, v15;
	v5 =	vbroadcast v5, $0x0  }
0x12c: {  	v46 =	vld [tilespmem:s31+$0xFFFFFFB0];
	v25 =	vmov s26;
	s5 =	sadd.s32 $0xFFFFFFF5, s28;
	v20 =	vand.u32 $0xFFFFFFFD, v20;
	v15 =	vbroadcast v15, $0x0  }
0x12d: {  	s12 =	sadd.s32 $0xFFFFFFF6, s28;
	v25 =	vand.u32 $0xFFFFFFFE, v25;
	v35 =	vmov s5;
	v20 =	vbroadcast v20, $0x0;
	v12 =	vld.idx.msk [tilespmem:v12+s21+$0x0], $0xffff  }
0x12e: {  	v40 =	vmov s12;
	v25 =	vbroadcast v25, $0x0;
	v35 =	vand.u32 $0xFFFFFFFC, v35;
	v32 =	vld.idx.msk [tilespmem:v32+s21+$0x0], $0xffff  }
0x12f: {  	v40 =	vand.u32 $0xFFFFFFFD, v40;
	v35 =	vbroadcast v35, $0x0;
	v1 =	vld.idx.msk [tilespmem:v1+s21+$0x0], $0xffff  }
0x130: {  	v40 =	vbroadcast v40, $0x0;
	v2 =	vld.idx.msk [tilespmem:v2+s21+$0x0], $0xffff  }
0x131: {  	v5 =	vld.idx.msk [tilespmem:v5+s21+$0x0], $0xffff  }
0x132: {  	s24 =	sadd.s32 $0xFFFFFFF7, s28;
	v15 =	vld.idx.msk [tilespmem:v15+s21+$0x0], $0xffff  }
0x133: {  	v45 =	vmov s24;
	v20 =	vld.idx.msk [tilespmem:v20+s21+$0x0], $0xffff  }
0x134: {  	s26 =	sadd.s32 $0xFFFFFFF9, s28;
	v45 =	vand.u32 $0xFFFFFFFE, v45;
	v25 =	vld.idx.msk [tilespmem:v25+s21+$0x0], $0xffff  }
0x135: {  	v62 =	vmov s26;
	v45 =	vbroadcast v45, $0x0;
	v35 =	vld.idx.msk [tilespmem:v35+s21+$0x0], $0xffff;
	v57 =	vmul.f32 v18, v12  }
0x136: {  	s25 =	sadd.s32 $0xFFFFFFF8, s28;
	v40 =	vld.idx.msk [tilespmem:v40+s21+$0x0], $0xffff;
	v60 =	vmul.f32 v19, v12;
	v61 =	vmul.f32 v21, v12;
	v18 =	vand.u32 $0xFFFFFFFC, v62  }
0x137: {  	v59 =	vmov s25;
	s4 =	sadd.s32 $0xFFFFFFFA, s28;
	v12 =	vmul.f32 v22, v12;
	v21 =	vld [tilespmem:s31+$0x20];
	v18 =	vbroadcast v18, $0x0  }
0x138: {  	v47 =	vmov s4;
	v22 =	vld [tilespmem:s31+$0x30];
	v3 =	vmul.f32 v3, v1;
	v4 =	vmul.f32 v4, v1  }
0x139: {  	v19 =	vand.u32 $0xFFFFFFFD, v47;
	v47 =	vld [tilespmem:s31+$0x160];
	v6 =	vmul.f32 v6, v1;
	v1 =	vmul.f32 v7, v1  }
0x13a: {  	v7 =	vld [tilespmem:s31+$0xFFFFFFA0];
	v8 =	vmul.f32 v8, v2;
	v9 =	vmul.f32 v9, v2  }
0x13b: {  	v10 =	vmul.f32 v10, v2;
	v55 =	vmul.f32 v13, v5;
	v13 =	vld [tilespmem:s31+$0xFFFFFFE0]  }
0x13c: {  	v2 =	vmul.f32 v11, v2;
	v56 =	vmul.f32 v16, v5;
	v11 =	vld.idx.msk [tilespmem:v59+s21+$0x0], $0xffff  }
0x13d: {  	v16 =	vld [tilespmem:s31+$0x50];
	v48 =	vmul.f32 v28, v20;
	v49 =	vmul.f32 v29, v20  }
0x13e: {  	v50 =	vmul.f32 v30, v20;
	v51 =	vmul.f32 v31, v20;
	v20 =	vld [tilespmem:s31+$0x90]  }
0x13f: {  	s5 =	sadd.s32 $0xFFFFFFFB, s28;
	v19 =	vbroadcast v19, $0x0;
	v63 =	vmul.f32 v23, v15;
	v29 =	vld [tilespmem:s31+$0xA0]  }
0x140: {  	v53 =	vmov s5;
	v24 =	vmul.f32 v24, v15;
	v52 =	vmul.f32 v33, v25;
	v28 =	vld [tilespmem:s31+$0xC0]  }
0x141: {  	v54 =	vmul.f32 v34, v25;
	v23 =	vand.u32 $0xFFFFFFFE, v53;
	v30 =	vld [tilespmem:s31+$0xD0];
	v3 =	vadd.f32 $0.0e+00, v3  }
0x142: {  	v59 =	vmul.f32 v41, v32;
	v33 =	vld [tilespmem:s31+$0xF0];
	v4 =	vadd.f32 $0.0e+00, v4;
	v6 =	vadd.f32 $0.0e+00, v6  }
0x143: {  	v41 =	vld [tilespmem:s31+$0x130];
	v23 =	vbroadcast v23, $0x0;
	v1 =	vadd.f32 $0.0e+00, v1;
	v3 =	vadd.f32 v8, v3  }
0x144: {  	v53 =	vld [tilespmem:s31+$0x180];
	v62 =	vmul.f32 v44, v35;
	v4 =	vadd.f32 v9, v4;
	v6 =	vadd.f32 v10, v6  }
0x145: {  	v8 =	vld [tilespmem:s31+$0xFFFFFFC0];
	v1 =	vadd.f32 v2, v1;
	v2 =	vmul.f32 v14, v5;
	v5 =	vmul.f32 v17, v5  }
0x146: {  	v10 =	vld [tilespmem:s31+$0xFFFFFFD0];
	v7 =	vmul.f32 v7, v35;
	v13 =	vmul.f32 v13, v40;
	v3 =	vadd.f32 v55, v3  }
0x147: {  	v2 =	vadd.f32 v2, v4;
	v58 =	vadd.f32 v56, v6;
	v6 =	vld.idx.msk [tilespmem:v45+s21+$0x0], $0xffff;
	v45 =	vmul.f32 v26, v15  }
0x148: {  	s12 =	sadd.s32 $0xFFFFFFFC, s28;
	v14 =	vld [tilespmem:s31+$0xFFFFFFF0];
	v1 =	vadd.f32 v5, v1;
	v15 =	vmul.f32 v27, v15;
	v55 =	vmul.f32 v36, v25  }
0x149: {  	v9 =	vld [tilespmem:s31+$0x40];
	v56 =	vmul.f32 v37, v25;
	v36 =	vmov s12;
	v3 =	vadd.f32 v57, v3  }
0x14a: {  	v17 =	vld [tilespmem:s31+$0x10];
	v2 =	vadd.f32 v60, v2;
	v4 =	vadd.f32 v61, v58;
	v57 =	vmul.f32 v38, v32  }
0x14b: {  	s24 =	sadd.s32 $0xFFFFFFFD, s28;
	v5 =	vld [tilespmem:s31+$0x0];
	v1 =	vadd.f32 v12, v1;
	v58 =	vmul.f32 v39, v32;
	v60 =	vmul.f32 v42, v32  }
0x14c: {  	v18 =	vld.idx.msk [tilespmem:v18+s21+$0x0], $0xffff;
	v61 =	vmul.f32 v43, v35;
	v39 =	vmov s24;
	v8 =	vmul.f32 v8, v40  }
0x14d: {  	v19 =	vld.idx.msk [tilespmem:v19+s21+$0x0], $0xffff;
	v10 =	vmul.f32 v10, v40;
	v14 =	vmul.f32 v14, v40;
	v31 =	vand.u32 $0xFFFFFFFC, v39  }
0x14e: {  	v26 =	vld [tilespmem:s31+$0x60];
	v9 =	vmul.f32 v9, v11;
	v3 =	vadd.f32 v63, v3;
	v2 =	vadd.f32 v24, v2  }
0x14f: {  	v27 =	vld [tilespmem:s31+$0x70];
	v4 =	vadd.f32 v45, v4;
	v63 =	vmul.f32 v46, v35;
	v31 =	vbroadcast v31, $0x0  }
0x150: {  	s25 =	sadd.s32 $0xFFFFFFFE, s28;
	v25 =	vld [tilespmem:s31+$0xB0];
	v1 =	vadd.f32 v15, v1;
	v5 =	vmul.f32 v5, v6;
	v43 =	vmul.f32 v17, v6  }
0x151: {  	v12 =	vld [tilespmem:s31+$0x80];
	v46 =	vmov s25;
	v44 =	vmul.f32 v21, v6;
	v6 =	vmul.f32 v22, v6  }
0x152: {  	v37 =	vld [tilespmem:s31+$0x100];
	v21 =	vand.u32 $0xFFFFFFFD, v46;
	v3 =	vadd.f32 v48, v3;
	v2 =	vadd.f32 v49, v2  }
0x153: {  	v32 =	vld [tilespmem:s31+$0xE0];
	v4 =	vadd.f32 v50, v4;
	v1 =	vadd.f32 v51, v1;
	v48 =	vmul.f32 v16, v11  }
0x154: {  	v38 =	vld [tilespmem:s31+$0x110];
	v21 =	vbroadcast v21, $0x0;
	v3 =	vadd.f32 v52, v3;
	v2 =	vadd.f32 v54, v2  }
0x155: {  	v42 =	vld [tilespmem:s31+$0x140];
	v50 =	vmul.f32 v26, v11;
	v4 =	vadd.f32 v55, v4;
	v1 =	vadd.f32 v56, v1  }
0x156: {  	s26 =	sadd.s32 $0xFFFFFFFF, s28;
	v40 =	vld [tilespmem:s31+$0x120];
	v52 =	vmul.f32 v27, v11;
	v54 =	vmul.f32 v12, v18;
	v3 =	vadd.f32 v57, v3  }
0x157: {  	v15 =	vld.idx.msk [tilespmem:v23+s21+$0x0], $0xffff;
	v56 =	vmov s26;
	v2 =	vadd.f32 v58, v2;
	v4 =	vadd.f32 v59, v4  }
0x158: {  	v45 =	vld [tilespmem:s31+$0x150];
	v1 =	vadd.f32 v60, v1;
	v57 =	vmul.f32 v20, v18;
	v59 =	vmul.f32 v29, v18  }
0x159: {  	v55 =	vld [tilespmem:s31+$0x190];
	v3 =	vadd.f32 v61, v3;
	v2 =	vadd.f32 v62, v2;
	v61 =	vmul.f32 v25, v18  }
0x15a: {  	v51 =	vld.idx.msk [tilespmem:v31+s21+$0x0], $0xffff;
	v1 =	vadd.f32 v63, v1;
	v62 =	vmul.f32 v28, v19;
	v63 =	vmul.f32 v30, v19  }
0x15b: {  	v58 =	vld [tilespmem:s31+$0x1A0];
	v4 =	vadd.f32 v7, v4;
	v28 =	vmul.f32 v32, v19;
	v30 =	vmul.f32 v33, v19  }
0x15c: {  	v21 =	vld.idx.msk [tilespmem:v21+s21+$0x0], $0xffff;
	v7 =	vmul.f32 v37, v15;
	v33 =	vmul.f32 v38, v15;
	v3 =	vadd.f32 v8, v3  }
0x15d: {  	v32 =	vld [tilespmem:s31+$0x1E0];
	v37 =	vmov s28;
	v2 =	vadd.f32 v10, v2;
	v4 =	vadd.f32 v13, v4  }
0x15e: {  	v10 =	vld.idx.msk [tilespmem:v36+s21+$0x0], $0xffff;
	v1 =	vadd.f32 v14, v1;
	v13 =	vand.u32 $0xFFFFFFFE, v56;
	v36 =	vmul.f32 v40, v15  }
0x15f: {  	v35 =	vld [tilespmem:s31+$0x1F0];
	v8 =	vmul.f32 v41, v15;
	v13 =	vbroadcast v13, $0x0;
	v3 =	vadd.f32 v5, v3  }
0x160: {  	v49 =	vld [tilespmem:s31+$0x170];
	v46 =	vmul.f32 v58, v51;
	v2 =	vadd.f32 v43, v2;
	v4 =	vadd.f32 v44, v4  }
0x161: {  	v60 =	vld [tilespmem:s31+$0x1B0];
	v1 =	vadd.f32 v6, v1;
	v43 =	vmul.f32 v53, v51;
	v3 =	vadd.f32 v9, v3  }
0x162: {  	v29 =	vld [tilespmem:s31+$0x1C0];
	v44 =	vmul.f32 v55, v51;
	v2 =	vadd.f32 v48, v2;
	v4 =	vadd.f32 v50, v4  }
0x163: {  	v31 =	vld [tilespmem:s31+$0x1D0];
	v6 =	vmul.f32 v32, v21;
	v1 =	vadd.f32 v52, v1;
	v3 =	vadd.f32 v54, v3  }
0x164: {  	v38 =	vld [tilespmem:s31+$0x200];
	v5 =	vmul.f32 v42, v10;
	v39 =	vmul.f32 v45, v10;
	v2 =	vadd.f32 v57, v2  }
0x165: {  	v41 =	vmul.f32 v47, v10;
	v47 =	vld.idx.msk [tilespmem:v37+s21+$0x0], $0xffff;
	v4 =	vadd.f32 v59, v4;
	v3 =	vadd.f32 v62, v3  }
0x166: {  	v10 =	vmul.f32 v49, v10;
	v49 =	vld [tilespmem:s31+$0x240];
	v1 =	vadd.f32 v61, v1;
	v2 =	vadd.f32 v63, v2  }
0x167: {  	v53 =	vmul.f32 v35, v21;
	v52 =	vld [tilespmem:s31+$0x250];
	v4 =	vadd.f32 v28, v4;
	v3 =	vadd.f32 v7, v3  }
0x168: {  	v48 =	vmul.f32 v60, v51;
	v13 =	vld.idx.msk [tilespmem:v13+s21+$0x0], $0xffff;
	v1 =	vadd.f32 v30, v1;
	v2 =	vadd.f32 v33, v2  }
0x169: {  	v40 =	vld [tilespmem:s31+$0x210];
	v50 =	vmul.f32 v29, v21;
	v4 =	vadd.f32 v36, v4;
	v3 =	vadd.f32 v5, v3  }
0x16a: {  	v51 =	vmul.f32 v31, v21;
	v42 =	vld [tilespmem:s31+$0x220];
	v1 =	vadd.f32 v8, v1;
	v2 =	vadd.f32 v39, v2  }
0x16b: {  	v45 =	vld [tilespmem:s31+$0x230];
	v59 =	vmul.f32 v49, v47;
	v4 =	vadd.f32 v41, v4;
	v3 =	vadd.f32 v43, v3  }
0x16c: {  	v54 =	vld [tilespmem:s31+$0x260];
	v61 =	vmul.f32 v52, v47;
	v1 =	vadd.f32 v10, v1;
	v2 =	vadd.f32 v44, v2  }
0x16d: {  	v56 =	vld [tilespmem:s31+$0x270];
	v55 =	vmul.f32 v38, v13;
	v4 =	vadd.f32 v46, v4;
	v3 =	vadd.f32 v50, v3  }
0x16e: {  	v57 =	vmul.f32 v40, v13;
	v1 =	vadd.f32 v48, v1;
	v2 =	vadd.f32 v51, v2  }
0x16f: {  	v58 =	vmul.f32 v42, v13;
	v4 =	vadd.f32 v6, v4;
	v3 =	vadd.f32 v55, v3  }
0x170: {  	v60 =	vmul.f32 v45, v13;
	v1 =	vadd.f32 v53, v1;
	v2 =	vadd.f32 v57, v2  }
0x171: {  	p0 =	sne.s32 s28, $0x27F;
	v62 =	vmul.f32 v54, v47;
	v4 =	vadd.f32 v58, v4;
	v3 =	vadd.f32 v59, v3  }
.Ltmp3:
0x172: {  	v63 =	vmul.f32 v56, v47;
	v1 =	vadd.f32 v60, v1;
	v2 =	vadd.f32 v61, v2;
	(pc) =	sbr.rel @p0 .LBB2_8-.Ltmp3, $4  }
0x173: {  	v4 =	vadd.f32 v62, v4;
	[tilespmem:s30+$0xFFFFFFE0] =	vst v3  }
0x174: {  	v1 =	vadd.f32 v63, v1;
	[tilespmem:s30+$0xFFFFFFF0] =	vst v2  }
0x175: {  	[tilespmem:s30+$0x0] =	vst v4  }
0x176: {  	s28 =	sadd.s32 $0x14, s28;
	s31 =	sadd.s32 $0x500, s31;
	[tilespmem:s30+$0x10] =	vst v1;
	s30 =	sadd.s32 $0x40, s30  }
0x177: {  	s29 =	sadd.s32 $0x1, s29  }
0x178: {  	s0 =	sshll.u32 s0, $0x3;
	p0 =	sne.s32 s29, $0x62  }
.Ltmp4:
0x179: {  	s0 =	sadd.s32 s9, s0;
	(pc) =	sbr.rel @p0 .LBB2_7-.Ltmp4, $4  }
0x17a: {  	[hbm4b:s0+s2] =	stream.linear.scatter [tilespmem:s23], [sflag:$0x2], $0x800, $0x38;
	[tilespmem:$0xAD00] =	vst v63  }
0x17b: {  	_ =	swait.ge [sflag:s13], $0x800  }
0x17c: {  	[sflag:s13] =	ssyncset.done $0x0  }
0x17d: {  	[sflag:s13] =	ssyncadd.s32 $0xFFFFF800  }
0x17e: {  	s3 =	rddreg [dreg:$0x6]  }
0x17f: {  	s0 =	rddreg [dreg:$0x5];
	s3 =	sadd.s32 $0x1, s3  }
0x180: {  	p0 =	sne.s32 s3, s0  }
.Ltmp5:
0x181: {  	_ = 	snop;
	(pc) =	sbr.rel @p0 .LBB2_1-.Ltmp5, $1  }
0x182: {  	_ =	sdelay $0x3  }
0x183: {  	_ =	sfence.sel $0x180000  }
0x184: {  	[bflag:$0x0] =	sbarrier.arrive $0xFFFF  }
0x185: {  	_ =	strace $0x90000047  }
0x186: {  	s0 =	stileid.u32;
	[bflag:$0x2] =	sbarrier.arrive $0xFFFF  }
0x187: {  	p0 =	sne.s32 s0, $0x0;
	s0 =	rddreg [dreg:$0x2]  }
0x188: {  	s0 =	sadd.s32 @!p0 $0x100000, s0  }
0x189: {  	[sflag:s0] =	ssyncadd.tile.s32 @!p0 $0x1;
	_ =	shalt  }
.Lfunc_end2:
_tile_overlayer_lowered:
.L_overlay_start_2:
0x18a: {  	(tag) =	ssettag $0x2  }
0x18b: {  	s0 =	rddreg [dreg:$0x0];
	s2 =	stileid.u32  }
0x18c: {  	s1 =	rddreg [dreg:$0x1];
	p0 =	sne.s32 s2, $0x0  }
0x18d: {  	s3 =	rddreg [dreg:$0x2];
	[bflag:$0x3] =	sbarrier.arrive $0xFFFF;
	s2 =	simm.s32 @!p0 $0x1C02  }
0x18e: {  	[timem:s3], [sflag:s2] =	dma.local @!p0 [hbm:s0], s1  }
0x18f: {  	s0 =	simm.s32 @!p0 $0x2  }
0x190: {  	_ =	swait.ge @!p0 [sflag:s0], s1  }
0x191: {  	s1 =	ssub.s32 @!p0 $0x0, s1;
	[sflag:s0] =	ssyncset.done @!p0 $0x0  }
0x192: {  	[sflag:s0] =	ssyncadd.s32 @!p0 s1  }
0x193: {  	[bflag:$0x3] =	sbarrier.arrive $0xFFFF  }
0x194: {  	_ =	shalt  }

</sc_bundles>
